<compile_context>
chip_gen: v7x
topology: tpu7x:2x2x1
jax: 0.10.2.dev20260603
libtpu: 0.0.44.dev20260713+nightly
codegen_flags: <defaults>
</compile_context>

<pallas_src>
import functools

import jax
import jax.numpy as jnp
from jax import lax
from jax.experimental import pallas as pl
from jax.experimental.pallas import tpu as pltpu
from jax.experimental.pallas import tpu_sc as plsc

_H = 3
_D = 128
_NBIG = 4096
_NCO = 512
_NT = _NBIG + _NCO
_EBIG = 262144 + _NBIG
_ECO = 16384 + _NCO
_ECORE = _EBIG + _ECO
_NSUB = 16
_EPT = _ECORE // _NSUB
_NCHUNK = _EPT // 16
_DEN = _NT * _H
_RSEG = _DEN // _NSUB



def _prep_body(vd, hd, co, wgv, av_m, wgh, ah_m, wgvh, avh_m,
               wghv, ahv_m, wlv, wlh, sc, blv, blh, bmean, bbeta,
               vh_out, hht_out, tabt):
    def logits(xv, wg, a_m, col):
        wab = jnp.dot(wg[...], a_m[...], preferred_element_type=jnp.float32)
        t = jnp.dot(xv, wab, preferred_element_type=jnp.float32)
        tabt[:, pl.ds(col, xv.shape[0])] = t.T

    logits(vd[...], wgv, av_m, 0)
    logits(co[...], wgvh, avh_m, _NBIG)
    logits(hd[...], wgh, ah_m, _NT)
    logits(co[...].T, wghv, ahv_m, _NT + _NBIG)

    scv = sc[...]
    sv = scv * (blv[...] - bmean[...]) + bbeta[...]
    sh = scv * (blh[...] - bmean[...]) + bbeta[...]
    t = (jnp.dot(vd[...], wlv[...] * scv,
                 preferred_element_type=jnp.float32) + sv)
    vh_out[...] = jnp.where(t >= 0.0, t, 0.01 * t)
    u = (jnp.dot(hd[...], wlh[...] * scv,
                 preferred_element_type=jnp.float32) + sh)
    hht_out[...] = jnp.where(u >= 0.0, u, 0.01 * u).T


def _prep(vd, hd, co, wgv, av_m, wgh, ah_m, wgvh, avh_m, wghv, ahv_m,
          wlv, wlh, sc, blv, blh, bmean, bbeta):
    n = vd.shape[0]
    return pl.pallas_call(
        _prep_body,
        out_shape=[
            jax.ShapeDtypeStruct((n, _D), jnp.float32),
            jax.ShapeDtypeStruct((_D, n), jnp.float32),
            jax.ShapeDtypeStruct((8, 2 * _NT), jnp.float32),
        ],
    )(vd, hd, co, wgv, av_m, wgh, ah_m, wgvh, avh_m, wghv, ahv_m,
      wlv, wlh, sc, blv, blh, bmean, bbeta)



def _edges_body(vei, hei, coei, cotei,
                eiv, eih, eivhv, eivhh, src_all, dst_all):
    arb_v = lax.broadcasted_iota(jnp.int32, (1, _NBIG), 1)[0]
    arc_v = lax.broadcasted_iota(jnp.int32, (1, _NCO), 1)[0]
    arc_off = arc_v + _NBIG
    for row in (0, 1):
        vr = vei[row, :]
        hr = hei[row, :]
        cor = coei[row, :]
        cotr = cotei[row, :]
        eiv[row, pl.ds(0, _EBIG - _NBIG)] = vr
        eiv[row, pl.ds(_EBIG - _NBIG, _NBIG)] = arb_v
        eih[row, pl.ds(0, _EBIG - _NBIG)] = hr
        eih[row, pl.ds(_EBIG - _NBIG, _NBIG)] = arb_v
        eivhv[row, pl.ds(0, _ECO - _NCO)] = cotr
        eivhv[row, pl.ds(_ECO - _NCO, _NCO)] = arc_v
        eivhh[row, pl.ds(0, _ECO - _NCO)] = cor
        eivhh[row, pl.ds(_ECO - _NCO, _NCO)] = arc_v
        out = src_all if row == 0 else dst_all
        out[pl.ds(0, _EBIG - _NBIG)] = vr
        out[pl.ds(_EBIG - _NBIG, _NBIG)] = arb_v
        out[pl.ds(_EBIG, _ECO - _NCO)] = cotr + _NBIG
        out[pl.ds(_EBIG + _ECO - _NCO, _NCO)] = arc_off
        out[pl.ds(_ECORE, _EBIG - _NBIG)] = hr
        out[pl.ds(_ECORE + _EBIG - _NBIG, _NBIG)] = arb_v
        out[pl.ds(_ECORE + _EBIG, _ECO - _NCO)] = cor + _NBIG
        out[pl.ds(_ECORE + _EBIG + _ECO - _NCO, _NCO)] = arc_off


def _edges(vei, hei, coei, cotei):
    return pl.pallas_call(
        _edges_body,
        out_shape=[
            jax.ShapeDtypeStruct((2, _EBIG), jnp.int32),
            jax.ShapeDtypeStruct((2, _EBIG), jnp.int32),
            jax.ShapeDtypeStruct((2, _ECO), jnp.int32),
            jax.ShapeDtypeStruct((2, _ECO), jnp.int32),
            jax.ShapeDtypeStruct((2 * _ECORE,), jnp.int32),
            jax.ShapeDtypeStruct((2 * _ECORE,), jnp.int32),
        ],
    )(vei, hei, coei, cotei)



def _bigmm_body(vh_ref, hht_ref, pa_ref, pb_ref, p2_ref):
    t = jnp.dot(vh_ref[...], hht_ref[...], preferred_element_type=jnp.float32)
    pa_ref[...] = t
    pb_ref[...] = t
    p2_ref[...] = t + t


def _bigmm(vh, hht):
    n = vh.shape[0]
    m = hht.shape[1]
    tm = 256
    return pl.pallas_call(
        _bigmm_body,
        grid=(n // tm,),
        in_specs=[
            pl.BlockSpec((tm, _D), lambda i: (i, 0)),
            pl.BlockSpec((_D, m), lambda i: (0, 0)),
        ],
        out_specs=[
            pl.BlockSpec((tm, m), lambda i: (i, 0)),
            pl.BlockSpec((tm, m), lambda i: (i, 0)),
            pl.BlockSpec((tm, m), lambda i: (i, 0)),
        ],
        out_shape=[
            jax.ShapeDtypeStruct((n, m), jnp.float32),
            jax.ShapeDtypeStruct((n, m), jnp.float32),
            jax.ShapeDtypeStruct((n, m), jnp.float32),
        ],
    )(vh, hht)



@functools.cache
def _make_alpha_kernel():
    mesh = plsc.VectorSubcoreMesh(core_axis_name="c", subcore_axis_name="s")
    return functools.partial(
        pl.kernel,
        mesh=mesh,
        compiler_params=pltpu.CompilerParams(needs_layout_passes=False),
        out_type=jax.ShapeDtypeStruct((2 * _ECORE * _H,), jnp.float32),
        scratch_types=[
            pltpu.VMEM((_EPT,), jnp.int32),
            pltpu.VMEM((_EPT,), jnp.int32),
            pltpu.VMEM((_NT * 2 * _H,), jnp.float32),
            pltpu.VMEM((_DEN,), jnp.float32),
            pltpu.VMEM((_EPT,), jnp.float32),
            pltpu.VMEM((_RSEG,), jnp.float32),
            pltpu.VMEM_SHARED((_NSUB * _DEN,), jnp.float32),
            pltpu.VMEM_SHARED((_DEN,), jnp.float32),
        ],
    )(_alpha_body)


def _alpha_body(src_hbm, dst_hbm, tab_hbm, out_hbm,
                src_v, dst_v, tab_v, den_v, out3_v, tmp_v, stage, final_sh):
    c = lax.axis_index("c")
    s = lax.axis_index("s")
    ebase = c * _ECORE + s * _EPT
    pltpu.sync_copy(src_hbm.at[pl.ds(ebase, _EPT)], src_v)
    pltpu.sync_copy(dst_hbm.at[pl.ds(ebase, _EPT)], dst_v)
    for h in range(2 * _H):
        pltpu.sync_copy(tab_hbm.at[h, pl.ds(c * _NT, _NT)],
                        tab_v.at[pl.ds(h * _NT, _NT)])

    zero16 = jnp.zeros((16,), jnp.float32)

    @plsc.parallel_loop(0, _DEN // 16, unroll=4)
    def _zero(i):
        den_v[pl.ds(i * 16, 16)] = zero16

    @plsc.parallel_loop(0, _NCHUNK, unroll=2)
    def _pass1(i):
        off = pl.multiple_of(i * 16, 16)
        isrc = src_v[pl.ds(off, 16)]
        idst = dst_v[pl.ds(off, 16)]
        i3d = idst * _H
        for h in range(_H):
            a = (plsc.load_gather(tab_v, [isrc + h * _NT])
                 + plsc.load_gather(tab_v, [idst + (_H + h) * _NT]))
            a = jnp.where(a >= 0.0, a, 0.2 * a)
            plsc.addupdate_scatter(den_v, [i3d + h], jnp.exp(a))

    pltpu.sync_copy(den_v, stage.at[pl.ds(s * _DEN, _DEN)])
    plsc.subcore_barrier()

    rbase = s * _RSEG

    def _accrow(r, _):
        @pl.when(r != s)
        def _():
            pltpu.sync_copy(stage.at[pl.ds(r * _DEN + rbase, _RSEG)], tmp_v)

            @plsc.parallel_loop(0, _RSEG // 16, unroll=2)
            def _accvec(j):
                off = pl.multiple_of(j * 16, 16)
                den_v[pl.ds(rbase + off, 16)] = (
                    den_v[pl.ds(rbase + off, 16)] + tmp_v[pl.ds(off, 16)])
        return 0
    lax.fori_loop(0, _NSUB, _accrow, 0)

    @plsc.parallel_loop(0, _RSEG // 16, unroll=2)
    def _recip(j):
        off = pl.multiple_of(j * 16, 16)
        den_v[pl.ds(rbase + off, 16)] = 1.0 / (
            den_v[pl.ds(rbase + off, 16)] + 1e-16)

    pltpu.sync_copy(den_v.at[pl.ds(rbase, _RSEG)],
                    final_sh.at[pl.ds(rbase, _RSEG)])
    plsc.subcore_barrier()
    pltpu.sync_copy(final_sh, den_v)

    for h in range(_H):
        @plsc.parallel_loop(0, _NCHUNK, unroll=2)
        def _pass2(i):
            off = pl.multiple_of(i * 16, 16)
            isrc = src_v[pl.ds(off, 16)]
            idst = dst_v[pl.ds(off, 16)]
            a = (plsc.load_gather(tab_v, [isrc + h * _NT])
                 + plsc.load_gather(tab_v, [idst + (_H + h) * _NT]))
            a = jnp.where(a >= 0.0, a, 0.2 * a)
            rden = plsc.load_gather(den_v, [idst * _H + h])
            out3_v[pl.ds(off, 16)] = jnp.exp(a) * rden

        pltpu.sync_copy(
            out3_v,
            out_hbm.at[pl.ds((c * _H + h) * _ECORE + s * _EPT, _EPT)])



def _att_mat(att_src, att_dst):
    e8 = jnp.eye(8, dtype=jnp.float32)
    a_s = jnp.einsum("hd,hk->hdk", att_src[0], e8[:_H]).reshape(_H * _D, 8)
    a_d = jnp.einsum("hd,hk->hdk", att_dst[0],
                     e8[_H:2 * _H]).reshape(_H * _D, 8)
    return a_s + a_d


def kernel(virus_data, host_data, coexistence_data, virus_edge_index,
           host_edge_index, coexistence_edge_index, coexistence_edge_index_t,
           virus_edge_weight, host_edge_weight,
           W_gat_v, att_src_v, att_dst_v, b_gat_v,
           W_gat_h, att_src_h, att_dst_h, b_gat_h,
           W_gat_vh, att_src_vh, att_dst_vh, b_gat_vh,
           W_gat_hv, att_src_hv, att_dst_hv, b_gat_hv,
           W_lin_v, b_lin_v, W_lin_h, b_lin_h,
           bn_gamma, bn_beta, bn_mean, bn_var):
    scale = bn_gamma / jnp.sqrt(bn_var + 1e-5)

    am_v = _att_mat(att_src_v, att_dst_v)
    am_h = _att_mat(att_src_h, att_dst_h)
    am_vh = _att_mat(att_src_vh, att_dst_vh)
    am_hv = _att_mat(att_src_hv, att_dst_hv)
    vh, hht, tabt = _prep(
        virus_data, host_data, coexistence_data,
        W_gat_v, am_v, W_gat_h, am_h, W_gat_vh, am_vh, W_gat_hv, am_hv,
        W_lin_v, W_lin_h, scale[None, :], b_lin_v[None, :],
        b_lin_h[None, :], bn_mean[None, :], bn_beta[None, :])

    ei_v, ei_h, ei_vhv, ei_vhh, src_all, dst_all = _edges(
        virus_edge_index, host_edge_index, coexistence_edge_index,
        coexistence_edge_index_t)

    alpha_flat = _make_alpha_kernel()(src_all, dst_all, tabt)

    def _planes(core, lo, hi):
        return jnp.stack(
            [alpha_flat[(core * _H + h) * _ECORE + lo:
                        (core * _H + h) * _ECORE + hi] for h in range(_H)],
            axis=1)

    alpha_v = _planes(0, 0, _EBIG)
    alpha_vhv = _planes(0, _EBIG, _ECORE)
    alpha_h = _planes(1, 0, _EBIG)
    alpha_vhh = _planes(1, _EBIG, _ECORE)

    P, Pb, P2 = _bigmm(vh, hht)

    return (P, Pb, P2, (ei_v, alpha_v), (ei_h, alpha_h),
            (ei_vhv, alpha_vhv), (ei_vhh, alpha_vhh))

# --- scband reference (transcript-rebuilt; emitter-appended) ---
"""Pipeline reference for scband-virus-host-coexistence-model-66168266162278 (READ-ONLY COPY).

The authoritative reference and input builder live on the scoring server;
editing this copy changes nothing except your own understanding.
"""

import jax, jax.numpy as jnp
import numpy as np

HEADS = 3
HID = 128

def _glorot(key, shape):
    fan_in, fan_out = shape[0], shape[-1]
    lim = float(np.sqrt(6.0 / (fan_in + fan_out)))
    return jax.random.uniform(key, shape, jnp.float32, -lim, lim)

def gat_conv(x, edge_index, W, att_src, att_dst, bias):
    # PyG GATConv(heads=3, concat=False, add_self_loops=True, edge_dim=None)
    n = x.shape[0]
    x_lin = (x @ W).reshape(n, HEADS, HID)
    loop = jnp.arange(n, dtype=edge_index.dtype)
    src = jnp.concatenate([edge_index[0], loop])
    dst = jnp.concatenate([edge_index[1], loop])
    a_src = jnp.sum(x_lin * att_src, axis=-1)  # [n, H]
    a_dst = jnp.sum(x_lin * att_dst, axis=-1)
    alpha = jax.nn.leaky_relu(a_src[src] + a_dst[dst], negative_slope=0.2)
    amax = jax.ops.segment_max(alpha, dst, num_segments=n)
    amax = jnp.where(jnp.isfinite(amax), amax, 0.0)
    e = jnp.exp(alpha - amax[dst])
    denom = jax.ops.segment_sum(e, dst, num_segments=n)
    alpha_n = e / (denom[dst] + 1e-16)
    out = jax.ops.segment_sum(x_lin[src] * alpha_n[:, :, None], dst, num_segments=n)
    out = jnp.mean(out, axis=1) + bias  # concat=False -> mean over heads
    return out, jnp.stack([src, dst]), alpha_n

def bn_eval(x, gamma, beta, mean, var, eps=1e-5):
    return gamma * (x - mean) / jnp.sqrt(var + eps) + beta

def setup_inputs(seed: int = 0):
    key = jax.random.key(seed)
    ks = jax.random.split(key, 40)
    n_virus, n_host = 4096, 4096
    d_v, d_h = 512, 512
    E, Ec = 262144, 16384
    inp = {}
    inp['virus_data'] = jax.random.normal(ks[0], (n_virus, d_v), jnp.float32)
    inp['host_data'] = jax.random.normal(ks[1], (n_host, d_h), jnp.float32)
    inp['coexistence_data'] = jax.random.normal(ks[2], (d_v, d_h), jnp.float32)
    inp['virus_edge_index'] = jax.random.randint(ks[3], (2, E), 0, n_virus, jnp.int32)
    inp['host_edge_index'] = jax.random.randint(ks[4], (2, E), 0, n_host, jnp.int32)
    inp['coexistence_edge_index'] = jax.random.randint(ks[5], (2, Ec), 0, d_h, jnp.int32)
    inp['coexistence_edge_index_t'] = jax.random.randint(ks[6], (2, Ec), 0, d_v, jnp.int32)
    inp['virus_edge_weight'] = jax.random.uniform(ks[7], (E,), jnp.float32)
    inp['host_edge_weight'] = jax.random.uniform(ks[8], (E,), jnp.float32)
    i = 9
    for tag, din in (('v', d_v), ('h', d_h), ('vh', d_h), ('hv', d_v)):
        inp['W_gat_' + tag] = _glorot(ks[i], (din, HEADS * HID)); i += 1
        inp['att_src_' + tag] = _glorot(ks[i], (1, HEADS, HID)); i += 1
        inp['att_dst_' + tag] = _glorot(ks[i], (1, HEADS, HID)); i += 1
        inp['b_gat_' + tag] = jnp.zeros((HID,), jnp.float32)
    inp['W_lin_v'] = _glorot(ks[i], (d_v, HID)); i += 1
    inp['b_lin_v'] = jnp.zeros((HID,), jnp.float32)
    inp['W_lin_h'] = _glorot(ks[i], (d_h, HID)); i += 1
    inp['b_lin_h'] = jnp.zeros((HID,), jnp.float32)
    inp['bn_gamma'] = jnp.ones((HID,), jnp.float32)
    inp['bn_beta'] = jnp.zeros((HID,), jnp.float32)
    inp['bn_mean'] = jnp.zeros((HID,), jnp.float32)
    inp['bn_var'] = jnp.ones((HID,), jnp.float32)
    return inp

def reference(virus_data, host_data, coexistence_data, virus_edge_index, host_edge_index, coexistence_edge_index, coexistence_edge_index_t, virus_edge_weight, host_edge_weight, W_gat_v, att_src_v, att_dst_v, b_gat_v, W_gat_h, att_src_h, att_dst_h, b_gat_h, W_gat_vh, att_src_vh, att_dst_vh, b_gat_vh, W_gat_hv, att_src_hv, att_dst_hv, b_gat_hv, W_lin_v, b_lin_v, W_lin_h, b_lin_h, bn_gamma, bn_beta, bn_mean, bn_var):
    # NOTE: edge weights are accepted but ignored, matching PyG GATConv built with
    # edge_dim=None (lin_edge is None so edge_attr is dropped in edge_update).
    virus_features, ei_v, alpha_v = gat_conv(virus_data, virus_edge_index, W_gat_v, att_src_v, att_dst_v, b_gat_v)
    host_features, ei_h, alpha_h = gat_conv(host_data, host_edge_index, W_gat_h, att_src_h, att_dst_h, b_gat_h)
    co_feat, ei_vhv, alpha_vhv = gat_conv(coexistence_data, coexistence_edge_index_t, W_gat_vh, att_src_vh, att_dst_vh, b_gat_vh)
    co_feat_h, ei_vhh, alpha_vhh = gat_conv(coexistence_data.T, coexistence_edge_index, W_gat_hv, att_src_hv, att_dst_hv, b_gat_hv)
    virus_hidden = jax.nn.leaky_relu(bn_eval(virus_data @ W_lin_v + b_lin_v, bn_gamma, bn_beta, bn_mean, bn_var), negative_slope=0.01)
    host_hidden = jax.nn.leaky_relu(bn_eval(host_data @ W_lin_h + b_lin_h, bn_gamma, bn_beta, bn_mean, bn_var), negative_slope=0.01)
    output_host = virus_hidden @ host_hidden.T
    output_virus = (host_hidden @ virus_hidden.T).T
    return (output_host, output_virus, output_host + output_virus, (ei_v, alpha_v), (ei_h, alpha_h), (ei_vhv, alpha_vhv), (ei_vhh, alpha_vhh))

if __name__ == "__main__":
    import jax
    _d = setup_inputs()
    print(jax.jit(kernel)(*tuple(_d.values())))

</pallas_src>

<mosaic_0001>
#map = affine_map<(d0, d1) -> (0)>
#map1 = affine_map<(d0, d1) -> (0, 0)>
module attributes {stable_mosaic.version = 14 : i64} {
  func.func @_alpha_body(%arg0: i32, %arg1: i32, %arg2: memref<566272xi32, #tpu.memory_space<hbm>>, %arg3: memref<566272xi32, #tpu.memory_space<hbm>>, %arg4: memref<8x9216xf32, #tpu.memory_space<hbm>>, %arg5: memref<1698816xf32, #tpu.memory_space<hbm>>, %arg6: memref<17696xi32, #tpu.memory_space<vmem>>, %arg7: memref<17696xi32, #tpu.memory_space<vmem>>, %arg8: memref<27648xf32, #tpu.memory_space<vmem>>, %arg9: memref<13824xf32, #tpu.memory_space<vmem>>, %arg10: memref<17696xf32, #tpu.memory_space<vmem>>, %arg11: memref<864xf32, #tpu.memory_space<vmem>>, %arg12: memref<221184xf32, #tpu.memory_space<vmem_shared>>, %arg13: memref<13824xf32, #tpu.memory_space<vmem_shared>>) attributes {dimension_semantics = [#tpu.dimension_semantics<core_parallel>, #tpu.dimension_semantics<subcore_parallel>], iteration_bounds = array<i64: 2, 16>, scalar_prefetch = 0 : i64, scratch_operands = 8 : i64, tpu.core_type = #tpu.core_type<sc_vector_subcore>, window_params = [{transform_indices = #map}, {transform_indices = #map}, {transform_indices = #map1}, {transform_indices = #map}]} {
    %mul3A = arith.constant 283136 : i32
    %mul3A_0 = arith.muli %arg0, %mul3A : i32
    %mul3A_1 = arith.constant 17696 : i32
    %mul3A_2 = arith.muli %arg1, %mul3A_1 : i32
    %add3A = arith.addi %mul3A_0, %mul3A_2 : i32
    "tpu.region"() ({
      %run_scoped3A_76 = tpu.sem_alloc : memref<!tpu.dma_semaphore, #tpu.memory_space<semaphore_mem>>
      %dma_start3A = tpu.memref_slice %arg2[%add3A] : memref<566272xi32, #tpu.memory_space<hbm>> -> memref<17696xi32, #tpu.memory_space<hbm>>
      %dma_start3A_77 = tpu.memref_slice %arg2[%add3A] : memref<566272xi32, #tpu.memory_space<hbm>> -> memref<17696xi32, #tpu.memory_space<hbm>>
      tpu.enqueue_dma source(%dma_start3A_77 : memref<17696xi32, #tpu.memory_space<hbm>>) target(%arg6 : memref<17696xi32, #tpu.memory_space<vmem>>) target_semaphore(%run_scoped3A_76 : memref<!tpu.dma_semaphore, #tpu.memory_space<semaphore_mem>>)
      %dma_wait3A = tpu.memref_slice %arg2[%add3A] : memref<566272xi32, #tpu.memory_space<hbm>> -> memref<17696xi32, #tpu.memory_space<hbm>>
      %dma_wait3A_78 = tpu.memref_slice %arg2[%add3A] : memref<566272xi32, #tpu.memory_space<hbm>> -> memref<17696xi32, #tpu.memory_space<hbm>>
      tpu.wait_dma2 semaphore(%run_scoped3A_76 : memref<!tpu.dma_semaphore, #tpu.memory_space<semaphore_mem>>) src(%dma_wait3A_78 : memref<17696xi32, #tpu.memory_space<hbm>>) dst(%arg6 : memref<17696xi32, #tpu.memory_space<vmem>>)
      tpu.yield
    }) : () -> ()
    "tpu.region"() ({
      %run_scoped3A_76 = tpu.sem_alloc : memref<!tpu.dma_semaphore, #tpu.memory_space<semaphore_mem>>
      %dma_start3A = tpu.memref_slice %arg3[%add3A] : memref<566272xi32, #tpu.memory_space<hbm>> -> memref<17696xi32, #tpu.memory_space<hbm>>
      %dma_start3A_77 = tpu.memref_slice %arg3[%add3A] : memref<566272xi32, #tpu.memory_space<hbm>> -> memref<17696xi32, #tpu.memory_space<hbm>>
      tpu.enqueue_dma source(%dma_start3A_77 : memref<17696xi32, #tpu.memory_space<hbm>>) target(%arg7 : memref<17696xi32, #tpu.memory_space<vmem>>) target_semaphore(%run_scoped3A_76 : memref<!tpu.dma_semaphore, #tpu.memory_space<semaphore_mem>>)
      %dma_wait3A = tpu.memref_slice %arg3[%add3A] : memref<566272xi32, #tpu.memory_space<hbm>> -> memref<17696xi32, #tpu.memory_space<hbm>>
      %dma_wait3A_78 = tpu.memref_slice %arg3[%add3A] : memref<566272xi32, #tpu.memory_space<hbm>> -> memref<17696xi32, #tpu.memory_space<hbm>>
      tpu.wait_dma2 semaphore(%run_scoped3A_76 : memref<!tpu.dma_semaphore, #tpu.memory_space<semaphore_mem>>) src(%dma_wait3A_78 : memref<17696xi32, #tpu.memory_space<hbm>>) dst(%arg7 : memref<17696xi32, #tpu.memory_space<vmem>>)
      tpu.yield
    }) : () -> ()
    %mul3A_3 = arith.constant 4608 : i32
    %mul3A_4 = arith.muli %arg0, %mul3A_3 : i32
    %run_scoped3A = arith.constant 0 : i32
    "tpu.region"() ({
      %run_scoped3A_76 = tpu.sem_alloc : memref<!tpu.dma_semaphore, #tpu.memory_space<semaphore_mem>>
      %dma_start3A = arith.constant 0 : i32
      %dma_start3A_77 = tpu.memref_slice %arg8[%dma_start3A] : memref<27648xf32, #tpu.memory_space<vmem>> -> memref<4608xf32, #tpu.memory_space<vmem>>
      %dma_start3A_78 = tpu.memref_slice %arg4[%run_scoped3A, %mul3A_4] : memref<8x9216xf32, #tpu.memory_space<hbm>> -> memref<1x4608xf32, #tpu.memory_space<hbm>>
      %dma_start3A_79 = tpu.memref_squeeze %dma_start3A_78 : memref<1x4608xf32, #tpu.memory_space<hbm>> -> memref<4608xf32, #tpu.memory_space<hbm>>
      %dma_start3A_80 = arith.constant 0 : i32
      %dma_start3A_81 = tpu.memref_slice %arg8[%dma_start3A_80] : memref<27648xf32, #tpu.memory_space<vmem>> -> memref<4608xf32, #tpu.memory_space<vmem>>
      %dma_start3A_82 = tpu.memref_slice %arg4[%run_scoped3A, %mul3A_4] : memref<8x9216xf32, #tpu.memory_space<hbm>> -> memref<1x4608xf32, #tpu.memory_space<hbm>>
      %dma_start3A_83 = tpu.memref_squeeze %dma_start3A_82 : memref<1x4608xf32, #tpu.memory_space<hbm>> -> memref<4608xf32, #tpu.memory_space<hbm>>
      tpu.enqueue_dma source(%dma_start3A_83 : memref<4608xf32, #tpu.memory_space<hbm>>) target(%dma_start3A_81 : memref<4608xf32, #tpu.memory_space<vmem>>) target_semaphore(%run_scoped3A_76 : memref<!tpu.dma_semaphore, #tpu.memory_space<semaphore_mem>>)
      %dma_wait3A = arith.constant 0 : i32
      %dma_wait3A_84 = tpu.memref_slice %arg8[%dma_wait3A] : memref<27648xf32, #tpu.memory_space<vmem>> -> memref<4608xf32, #tpu.memory_space<vmem>>
      %dma_wait3A_85 = tpu.memref_slice %arg4[%run_scoped3A, %mul3A_4] : memref<8x9216xf32, #tpu.memory_space<hbm>> -> memref<1x4608xf32, #tpu.memory_space<hbm>>
      %dma_wait3A_86 = tpu.memref_squeeze %dma_wait3A_85 : memref<1x4608xf32, #tpu.memory_space<hbm>> -> memref<4608xf32, #tpu.memory_space<hbm>>
      %dma_wait3A_87 = arith.constant 0 : i32
      %dma_wait3A_88 = tpu.memref_slice %arg8[%dma_wait3A_87] : memref<27648xf32, #tpu.memory_space<vmem>> -> memref<4608xf32, #tpu.memory_space<vmem>>
      %dma_wait3A_89 = tpu.memref_slice %arg4[%run_scoped3A, %mul3A_4] : memref<8x9216xf32, #tpu.memory_space<hbm>> -> memref<1x4608xf32, #tpu.memory_space<hbm>>
      %dma_wait3A_90 = tpu.memref_squeeze %dma_wait3A_89 : memref<1x4608xf32, #tpu.memory_space<hbm>> -> memref<4608xf32, #tpu.memory_space<hbm>>
      tpu.wait_dma2 semaphore(%run_scoped3A_76 : memref<!tpu.dma_semaphore, #tpu.memory_space<semaphore_mem>>) src(%dma_wait3A_90 : memref<4608xf32, #tpu.memory_space<hbm>>) dst(%dma_wait3A_88 : memref<4608xf32, #tpu.memory_space<vmem>>)
      tpu.yield
    }) : () -> ()
    %mul3A_5 = arith.constant 4608 : i32
    %mul3A_6 = arith.muli %arg0, %mul3A_5 : i32
    %run_scoped3A_7 = arith.constant 1 : i32
    "tpu.region"() ({
      %run_scoped3A_76 = tpu.sem_alloc : memref<!tpu.dma_semaphore, #tpu.memory_space<semaphore_mem>>
      %dma_start3A = arith.constant 4608 : i32
      %dma_start3A_77 = tpu.memref_slice %arg8[%dma_start3A] : memref<27648xf32, #tpu.memory_space<vmem>> -> memref<4608xf32, #tpu.memory_space<vmem>>
      %dma_start3A_78 = tpu.memref_slice %arg4[%run_scoped3A_7, %mul3A_6] : memref<8x9216xf32, #tpu.memory_space<hbm>> -> memref<1x4608xf32, #tpu.memory_space<hbm>>
      %dma_start3A_79 = tpu.memref_squeeze %dma_start3A_78 : memref<1x4608xf32, #tpu.memory_space<hbm>> -> memref<4608xf32, #tpu.memory_space<hbm>>
      %dma_start3A_80 = arith.constant 4608 : i32
      %dma_start3A_81 = tpu.memref_slice %arg8[%dma_start3A_80] : memref<27648xf32, #tpu.memory_space<vmem>> -> memref<4608xf32, #tpu.memory_space<vmem>>
      %dma_start3A_82 = tpu.memref_slice %arg4[%run_scoped3A_7, %mul3A_6] : memref<8x9216xf32, #tpu.memory_space<hbm>> -> memref<1x4608xf32, #tpu.memory_space<hbm>>
      %dma_start3A_83 = tpu.memref_squeeze %dma_start3A_82 : memref<1x4608xf32, #tpu.memory_space<hbm>> -> memref<4608xf32, #tpu.memory_space<hbm>>
      tpu.enqueue_dma source(%dma_start3A_83 : memref<4608xf32, #tpu.memory_space<hbm>>) target(%dma_start3A_81 : memref<4608xf32, #tpu.memory_space<vmem>>) target_semaphore(%run_scoped3A_76 : memref<!tpu.dma_semaphore, #tpu.memory_space<semaphore_mem>>)
      %dma_wait3A = arith.constant 4608 : i32
      %dma_wait3A_84 = tpu.memref_slice %arg8[%dma_wait3A] : memref<27648xf32, #tpu.memory_space<vmem>> -> memref<4608xf32, #tpu.memory_space<vmem>>
      %dma_wait3A_85 = tpu.memref_slice %arg4[%run_scoped3A_7, %mul3A_6] : memref<8x9216xf32, #tpu.memory_space<hbm>> -> memref<1x4608xf32, #tpu.memory_space<hbm>>
      %dma_wait3A_86 = tpu.memref_squeeze %dma_wait3A_85 : memref<1x4608xf32, #tpu.memory_space<hbm>> -> memref<4608xf32, #tpu.memory_space<hbm>>
      %dma_wait3A_87 = arith.constant 4608 : i32
      %dma_wait3A_88 = tpu.memref_slice %arg8[%dma_wait3A_87] : memref<27648xf32, #tpu.memory_space<vmem>> -> memref<4608xf32, #tpu.memory_space<vmem>>
      %dma_wait3A_89 = tpu.memref_slice %arg4[%run_scoped3A_7, %mul3A_6] : memref<8x9216xf32, #tpu.memory_space<hbm>> -> memref<1x4608xf32, #tpu.memory_space<hbm>>
      %dma_wait3A_90 = tpu.memref_squeeze %dma_wait3A_89 : memref<1x4608xf32, #tpu.memory_space<hbm>> -> memref<4608xf32, #tpu.memory_space<hbm>>
      tpu.wait_dma2 semaphore(%run_scoped3A_76 : memref<!tpu.dma_semaphore, #tpu.memory_space<semaphore_mem>>) src(%dma_wait3A_90 : memref<4608xf32, #tpu.memory_space<hbm>>) dst(%dma_wait3A_88 : memref<4608xf32, #tpu.memory_space<vmem>>)
      tpu.yield
    }) : () -> ()
    %mul3A_8 = arith.constant 4608 : i32
    %mul3A_9 = arith.muli %arg0, %mul3A_8 : i32
    %run_scoped3A_10 = arith.constant 2 : i32
    "tpu.region"() ({
      %run_scoped3A_76 = tpu.sem_alloc : memref<!tpu.dma_semaphore, #tpu.memory_space<semaphore_mem>>
      %dma_start3A = arith.constant 9216 : i32
      %dma_start3A_77 = tpu.memref_slice %arg8[%dma_start3A] : memref<27648xf32, #tpu.memory_space<vmem>> -> memref<4608xf32, #tpu.memory_space<vmem>>
      %dma_start3A_78 = tpu.memref_slice %arg4[%run_scoped3A_10, %mul3A_9] : memref<8x9216xf32, #tpu.memory_space<hbm>> -> memref<1x4608xf32, #tpu.memory_space<hbm>>
      %dma_start3A_79 = tpu.memref_squeeze %dma_start3A_78 : memref<1x4608xf32, #tpu.memory_space<hbm>> -> memref<4608xf32, #tpu.memory_space<hbm>>
      %dma_start3A_80 = arith.constant 9216 : i32
      %dma_start3A_81 = tpu.memref_slice %arg8[%dma_start3A_80] : memref<27648xf32, #tpu.memory_space<vmem>> -> memref<4608xf32, #tpu.memory_space<vmem>>
      %dma_start3A_82 = tpu.memref_slice %arg4[%run_scoped3A_10, %mul3A_9] : memref<8x9216xf32, #tpu.memory_space<hbm>> -> memref<1x4608xf32, #tpu.memory_space<hbm>>
      %dma_start3A_83 = tpu.memref_squeeze %dma_start3A_82 : memref<1x4608xf32, #tpu.memory_space<hbm>> -> memref<4608xf32, #tpu.memory_space<hbm>>
      tpu.enqueue_dma source(%dma_start3A_83 : memref<4608xf32, #tpu.memory_space<hbm>>) target(%dma_start3A_81 : memref<4608xf32, #tpu.memory_space<vmem>>) target_semaphore(%run_scoped3A_76 : memref<!tpu.dma_semaphore, #tpu.memory_space<semaphore_mem>>)
      %dma_wait3A = arith.constant 9216 : i32
      %dma_wait3A_84 = tpu.memref_slice %arg8[%dma_wait3A] : memref<27648xf32, #tpu.memory_space<vmem>> -> memref<4608xf32, #tpu.memory_space<vmem>>
      %dma_wait3A_85 = tpu.memref_slice %arg4[%run_scoped3A_10, %mul3A_9] : memref<8x9216xf32, #tpu.memory_space<hbm>> -> memref<1x4608xf32, #tpu.memory_space<hbm>>
      %dma_wait3A_86 = tpu.memref_squeeze %dma_wait3A_85 : memref<1x4608xf32, #tpu.memory_space<hbm>> -> memref<4608xf32, #tpu.memory_space<hbm>>
      %dma_wait3A_87 = arith.constant 9216 : i32
      %dma_wait3A_88 = tpu.memref_slice %arg8[%dma_wait3A_87] : memref<27648xf32, #tpu.memory_space<vmem>> -> memref<4608xf32, #tpu.memory_space<vmem>>
      %dma_wait3A_89 = tpu.memref_slice %arg4[%run_scoped3A_10, %mul3A_9] : memref<8x9216xf32, #tpu.memory_space<hbm>> -> memref<1x4608xf32, #tpu.memory_space<hbm>>
      %dma_wait3A_90 = tpu.memref_squeeze %dma_wait3A_89 : memref<1x4608xf32, #tpu.memory_space<hbm>> -> memref<4608xf32, #tpu.memory_space<hbm>>
      tpu.wait_dma2 semaphore(%run_scoped3A_76 : memref<!tpu.dma_semaphore, #tpu.memory_space<semaphore_mem>>) src(%dma_wait3A_90 : memref<4608xf32, #tpu.memory_space<hbm>>) dst(%dma_wait3A_88 : memref<4608xf32, #tpu.memory_space<vmem>>)
      tpu.yield
    }) : () -> ()
    %mul3A_11 = arith.constant 4608 : i32
    %mul3A_12 = arith.muli %arg0, %mul3A_11 : i32
    %run_scoped3A_13 = arith.constant 3 : i32
    "tpu.region"() ({
      %run_scoped3A_76 = tpu.sem_alloc : memref<!tpu.dma_semaphore, #tpu.memory_space<semaphore_mem>>
      %dma_start3A = arith.constant 13824 : i32
      %dma_start3A_77 = tpu.memref_slice %arg8[%dma_start3A] : memref<27648xf32, #tpu.memory_space<vmem>> -> memref<4608xf32, #tpu.memory_space<vmem>>
      %dma_start3A_78 = tpu.memref_slice %arg4[%run_scoped3A_13, %mul3A_12] : memref<8x9216xf32, #tpu.memory_space<hbm>> -> memref<1x4608xf32, #tpu.memory_space<hbm>>
      %dma_start3A_79 = tpu.memref_squeeze %dma_start3A_78 : memref<1x4608xf32, #tpu.memory_space<hbm>> -> memref<4608xf32, #tpu.memory_space<hbm>>
      %dma_start3A_80 = arith.constant 13824 : i32
      %dma_start3A_81 = tpu.memref_slice %arg8[%dma_start3A_80] : memref<27648xf32, #tpu.memory_space<vmem>> -> memref<4608xf32, #tpu.memory_space<vmem>>
      %dma_start3A_82 = tpu.memref_slice %arg4[%run_scoped3A_13, %mul3A_12] : memref<8x9216xf32, #tpu.memory_space<hbm>> -> memref<1x4608xf32, #tpu.memory_space<hbm>>
      %dma_start3A_83 = tpu.memref_squeeze %dma_start3A_82 : memref<1x4608xf32, #tpu.memory_space<hbm>> -> memref<4608xf32, #tpu.memory_space<hbm>>
      tpu.enqueue_dma source(%dma_start3A_83 : memref<4608xf32, #tpu.memory_space<hbm>>) target(%dma_start3A_81 : memref<4608xf32, #tpu.memory_space<vmem>>) target_semaphore(%run_scoped3A_76 : memref<!tpu.dma_semaphore, #tpu.memory_space<semaphore_mem>>)
      %dma_wait3A = arith.constant 13824 : i32
      %dma_wait3A_84 = tpu.memref_slice %arg8[%dma_wait3A] : memref<27648xf32, #tpu.memory_space<vmem>> -> memref<4608xf32, #tpu.memory_space<vmem>>
      %dma_wait3A_85 = tpu.memref_slice %arg4[%run_scoped3A_13, %mul3A_12] : memref<8x9216xf32, #tpu.memory_space<hbm>> -> memref<1x4608xf32, #tpu.memory_space<hbm>>
      %dma_wait3A_86 = tpu.memref_squeeze %dma_wait3A_85 : memref<1x4608xf32, #tpu.memory_space<hbm>> -> memref<4608xf32, #tpu.memory_space<hbm>>
      %dma_wait3A_87 = arith.constant 13824 : i32
      %dma_wait3A_88 = tpu.memref_slice %arg8[%dma_wait3A_87] : memref<27648xf32, #tpu.memory_space<vmem>> -> memref<4608xf32, #tpu.memory_space<vmem>>
      %dma_wait3A_89 = tpu.memref_slice %arg4[%run_scoped3A_13, %mul3A_12] : memref<8x9216xf32, #tpu.memory_space<hbm>> -> memref<1x4608xf32, #tpu.memory_space<hbm>>
      %dma_wait3A_90 = tpu.memref_squeeze %dma_wait3A_89 : memref<1x4608xf32, #tpu.memory_space<hbm>> -> memref<4608xf32, #tpu.memory_space<hbm>>
      tpu.wait_dma2 semaphore(%run_scoped3A_76 : memref<!tpu.dma_semaphore, #tpu.memory_space<semaphore_mem>>) src(%dma_wait3A_90 : memref<4608xf32, #tpu.memory_space<hbm>>) dst(%dma_wait3A_88 : memref<4608xf32, #tpu.memory_space<vmem>>)
      tpu.yield
    }) : () -> ()
    %mul3A_14 = arith.constant 4608 : i32
    %mul3A_15 = arith.muli %arg0, %mul3A_14 : i32
    %run_scoped3A_16 = arith.constant 4 : i32
    "tpu.region"() ({
      %run_scoped3A_76 = tpu.sem_alloc : memref<!tpu.dma_semaphore, #tpu.memory_space<semaphore_mem>>
      %dma_start3A = arith.constant 18432 : i32
      %dma_start3A_77 = tpu.memref_slice %arg8[%dma_start3A] : memref<27648xf32, #tpu.memory_space<vmem>> -> memref<4608xf32, #tpu.memory_space<vmem>>
      %dma_start3A_78 = tpu.memref_slice %arg4[%run_scoped3A_16, %mul3A_15] : memref<8x9216xf32, #tpu.memory_space<hbm>> -> memref<1x4608xf32, #tpu.memory_space<hbm>>
      %dma_start3A_79 = tpu.memref_squeeze %dma_start3A_78 : memref<1x4608xf32, #tpu.memory_space<hbm>> -> memref<4608xf32, #tpu.memory_space<hbm>>
      %dma_start3A_80 = arith.constant 18432 : i32
      %dma_start3A_81 = tpu.memref_slice %arg8[%dma_start3A_80] : memref<27648xf32, #tpu.memory_space<vmem>> -> memref<4608xf32, #tpu.memory_space<vmem>>
      %dma_start3A_82 = tpu.memref_slice %arg4[%run_scoped3A_16, %mul3A_15] : memref<8x9216xf32, #tpu.memory_space<hbm>> -> memref<1x4608xf32, #tpu.memory_space<hbm>>
      %dma_start3A_83 = tpu.memref_squeeze %dma_start3A_82 : memref<1x4608xf32, #tpu.memory_space<hbm>> -> memref<4608xf32, #tpu.memory_space<hbm>>
      tpu.enqueue_dma source(%dma_start3A_83 : memref<4608xf32, #tpu.memory_space<hbm>>) target(%dma_start3A_81 : memref<4608xf32, #tpu.memory_space<vmem>>) target_semaphore(%run_scoped3A_76 : memref<!tpu.dma_semaphore, #tpu.memory_space<semaphore_mem>>)
      %dma_wait3A = arith.constant 18432 : i32
      %dma_wait3A_84 = tpu.memref_slice %arg8[%dma_wait3A] : memref<27648xf32, #tpu.memory_space<vmem>> -> memref<4608xf32, #tpu.memory_space<vmem>>
      %dma_wait3A_85 = tpu.memref_slice %arg4[%run_scoped3A_16, %mul3A_15] : memref<8x9216xf32, #tpu.memory_space<hbm>> -> memref<1x4608xf32, #tpu.memory_space<hbm>>
      %dma_wait3A_86 = tpu.memref_squeeze %dma_wait3A_85 : memref<1x4608xf32, #tpu.memory_space<hbm>> -> memref<4608xf32, #tpu.memory_space<hbm>>
      %dma_wait3A_87 = arith.constant 18432 : i32
      %dma_wait3A_88 = tpu.memref_slice %arg8[%dma_wait3A_87] : memref<27648xf32, #tpu.memory_space<vmem>> -> memref<4608xf32, #tpu.memory_space<vmem>>
      %dma_wait3A_89 = tpu.memref_slice %arg4[%run_scoped3A_16, %mul3A_15] : memref<8x9216xf32, #tpu.memory_space<hbm>> -> memref<1x4608xf32, #tpu.memory_space<hbm>>
      %dma_wait3A_90 = tpu.memref_squeeze %dma_wait3A_89 : memref<1x4608xf32, #tpu.memory_space<hbm>> -> memref<4608xf32, #tpu.memory_space<hbm>>
      tpu.wait_dma2 semaphore(%run_scoped3A_76 : memref<!tpu.dma_semaphore, #tpu.memory_space<semaphore_mem>>) src(%dma_wait3A_90 : memref<4608xf32, #tpu.memory_space<hbm>>) dst(%dma_wait3A_88 : memref<4608xf32, #tpu.memory_space<vmem>>)
      tpu.yield
    }) : () -> ()
    %mul3A_17 = arith.constant 4608 : i32
    %mul3A_18 = arith.muli %arg0, %mul3A_17 : i32
    %run_scoped3A_19 = arith.constant 5 : i32
    "tpu.region"() ({
      %run_scoped3A_76 = tpu.sem_alloc : memref<!tpu.dma_semaphore, #tpu.memory_space<semaphore_mem>>
      %dma_start3A = arith.constant 23040 : i32
      %dma_start3A_77 = tpu.memref_slice %arg8[%dma_start3A] : memref<27648xf32, #tpu.memory_space<vmem>> -> memref<4608xf32, #tpu.memory_space<vmem>>
      %dma_start3A_78 = tpu.memref_slice %arg4[%run_scoped3A_19, %mul3A_18] : memref<8x9216xf32, #tpu.memory_space<hbm>> -> memref<1x4608xf32, #tpu.memory_space<hbm>>
      %dma_start3A_79 = tpu.memref_squeeze %dma_start3A_78 : memref<1x4608xf32, #tpu.memory_space<hbm>> -> memref<4608xf32, #tpu.memory_space<hbm>>
      %dma_start3A_80 = arith.constant 23040 : i32
      %dma_start3A_81 = tpu.memref_slice %arg8[%dma_start3A_80] : memref<27648xf32, #tpu.memory_space<vmem>> -> memref<4608xf32, #tpu.memory_space<vmem>>
      %dma_start3A_82 = tpu.memref_slice %arg4[%run_scoped3A_19, %mul3A_18] : memref<8x9216xf32, #tpu.memory_space<hbm>> -> memref<1x4608xf32, #tpu.memory_space<hbm>>
      %dma_start3A_83 = tpu.memref_squeeze %dma_start3A_82 : memref<1x4608xf32, #tpu.memory_space<hbm>> -> memref<4608xf32, #tpu.memory_space<hbm>>
      tpu.enqueue_dma source(%dma_start3A_83 : memref<4608xf32, #tpu.memory_space<hbm>>) target(%dma_start3A_81 : memref<4608xf32, #tpu.memory_space<vmem>>) target_semaphore(%run_scoped3A_76 : memref<!tpu.dma_semaphore, #tpu.memory_space<semaphore_mem>>)
      %dma_wait3A = arith.constant 23040 : i32
      %dma_wait3A_84 = tpu.memref_slice %arg8[%dma_wait3A] : memref<27648xf32, #tpu.memory_space<vmem>> -> memref<4608xf32, #tpu.memory_space<vmem>>
      %dma_wait3A_85 = tpu.memref_slice %arg4[%run_scoped3A_19, %mul3A_18] : memref<8x9216xf32, #tpu.memory_space<hbm>> -> memref<1x4608xf32, #tpu.memory_space<hbm>>
      %dma_wait3A_86 = tpu.memref_squeeze %dma_wait3A_85 : memref<1x4608xf32, #tpu.memory_space<hbm>> -> memref<4608xf32, #tpu.memory_space<hbm>>
      %dma_wait3A_87 = arith.constant 23040 : i32
      %dma_wait3A_88 = tpu.memref_slice %arg8[%dma_wait3A_87] : memref<27648xf32, #tpu.memory_space<vmem>> -> memref<4608xf32, #tpu.memory_space<vmem>>
      %dma_wait3A_89 = tpu.memref_slice %arg4[%run_scoped3A_19, %mul3A_18] : memref<8x9216xf32, #tpu.memory_space<hbm>> -> memref<1x4608xf32, #tpu.memory_space<hbm>>
      %dma_wait3A_90 = tpu.memref_squeeze %dma_wait3A_89 : memref<1x4608xf32, #tpu.memory_space<hbm>> -> memref<4608xf32, #tpu.memory_space<hbm>>
      tpu.wait_dma2 semaphore(%run_scoped3A_76 : memref<!tpu.dma_semaphore, #tpu.memory_space<semaphore_mem>>) src(%dma_wait3A_90 : memref<4608xf32, #tpu.memory_space<hbm>>) dst(%dma_wait3A_88 : memref<4608xf32, #tpu.memory_space<vmem>>)
      tpu.yield
    }) : () -> ()
    %broadcast_in_dim3A = arith.constant 0.000000e+00 : f32
    %broadcast_in_dim3A_20 = vector.broadcast %broadcast_in_dim3A : f32 to vector<16xf32>
    %parallel_loop3A = arith.constant 0 : i32
    %parallel_loop3A_21 = arith.constant 864 : i32
    %parallel_loop3A_22 = arith.constant 1 : i32
    scf.for %parallel_loop3A_76 = %parallel_loop3A to %parallel_loop3A_21 step %parallel_loop3A_22  : i32 {
      %parallel_loop3A_77 = arith.constant 16 : i32
      %parallel_loop3A_78 = arith.muli %parallel_loop3A_76, %parallel_loop3A_77 : i32
      %parallel_loop3A_79 = arith.index_cast %parallel_loop3A_78 : i32 to index
      %parallel_loop3A_80 = tpu.vector_load %arg9[%parallel_loop3A_79] {strides = array<i32>} : memref<13824xf32, #tpu.memory_space<vmem>>, vector<16xf32>,
      tpu.vector_store %arg9[%parallel_loop3A_79], %broadcast_in_dim3A_20 {strides = array<i32>} : memref<13824xf32, #tpu.memory_space<vmem>>, vector<16xf32>,
    } {sc.loop_unroll_factor = 4 : i64, sc.parallel_access}
    %parallel_loop3A_23 = arith.constant 0 : i32
    %parallel_loop3A_24 = arith.constant 1106 : i32
    %parallel_loop3A_25 = arith.constant 1 : i32
    scf.for %parallel_loop3A_76 = %parallel_loop3A_23 to %parallel_loop3A_24 step %parallel_loop3A_25  : i32 {
      %parallel_loop3A_77 = arith.constant 16 : i32
      %parallel_loop3A_78 = arith.muli %parallel_loop3A_76, %parallel_loop3A_77 : i32
      %parallel_loop3A_79 = tpu.assume_multiple %parallel_loop3A_78, 16 : i32
      %parallel_loop3A_80 = arith.index_cast %parallel_loop3A_79 : i32 to index
      %parallel_loop3A_81 = tpu.vector_load %arg6[%parallel_loop3A_80] {strides = array<i32>} : memref<17696xi32, #tpu.memory_space<vmem>>, vector<16xi32>,
      %parallel_loop3A_82 = arith.index_cast %parallel_loop3A_79 : i32 to index
      %parallel_loop3A_83 = tpu.vector_load %arg7[%parallel_loop3A_82] {strides = array<i32>} : memref<17696xi32, #tpu.memory_space<vmem>>, vector<16xi32>,
      %parallel_loop3A_84 = arith.constant 3 : i32
      %parallel_loop3A_85 = vector.broadcast %parallel_loop3A_84 : i32 to vector<16xi32>
      %parallel_loop3A_86 = arith.muli %parallel_loop3A_83, %parallel_loop3A_85 : vector<16xi32>
      %parallel_loop3A_87 = arith.constant 0 : i32
      %parallel_loop3A_88 = vector.broadcast %parallel_loop3A_87 : i32 to vector<16xi32>
      %parallel_loop3A_89 = arith.addi %parallel_loop3A_81, %parallel_loop3A_88 : vector<16xi32>
      %parallel_loop3A_90 = tpu.vector_load_idx %arg8[%parallel_loop3A_89] : memref<27648xf32, #tpu.memory_space<vmem>>[vector<16xi32>], vector<16xf32>,
      %parallel_loop3A_91 = arith.constant 13824 : i32
      %parallel_loop3A_92 = vector.broadcast %parallel_loop3A_91 : i32 to vector<16xi32>
      %parallel_loop3A_93 = arith.addi %parallel_loop3A_83, %parallel_loop3A_92 : vector<16xi32>
      %parallel_loop3A_94 = tpu.vector_load_idx %arg8[%parallel_loop3A_93] : memref<27648xf32, #tpu.memory_space<vmem>>[vector<16xi32>], vector<16xf32>,
      %parallel_loop3A_95 = arith.addf %parallel_loop3A_90, %parallel_loop3A_94 : vector<16xf32>
      %parallel_loop3A_96 = arith.constant 0.000000e+00 : f32
      %parallel_loop3A_97 = vector.broadcast %parallel_loop3A_96 : f32 to vector<16xf32>
      %parallel_loop3A_98 = arith.cmpf oge, %parallel_loop3A_95, %parallel_loop3A_97 : vector<16xf32>
      %parallel_loop3A_99 = arith.constant 2.000000e-01 : f32
      %parallel_loop3A_100 = vector.broadcast %parallel_loop3A_99 : f32 to vector<16xf32>
      %parallel_loop3A_101 = arith.mulf %parallel_loop3A_100, %parallel_loop3A_95 : vector<16xf32>
      %parallel_loop3A_102 = arith.select %parallel_loop3A_98, %parallel_loop3A_95, %parallel_loop3A_101 : vector<16xi1>, vector<16xf32>
      %parallel_loop3A_103 = arith.constant 0 : i32
      %parallel_loop3A_104 = vector.broadcast %parallel_loop3A_103 : i32 to vector<16xi32>
      %parallel_loop3A_105 = arith.addi %parallel_loop3A_86, %parallel_loop3A_104 : vector<16xi32>
      %parallel_loop3A_106 = math.exp %parallel_loop3A_102 : vector<16xf32>
      tpu.vector_store_idx %arg9[%parallel_loop3A_105], %parallel_loop3A_106 {add = true} : memref<13824xf32, #tpu.memory_space<vmem>>[vector<16xi32>], vector<16xf32>,
      %parallel_loop3A_107 = arith.constant 4608 : i32
      %parallel_loop3A_108 = vector.broadcast %parallel_loop3A_107 : i32 to vector<16xi32>
      %parallel_loop3A_109 = arith.addi %parallel_loop3A_81, %parallel_loop3A_108 : vector<16xi32>
      %parallel_loop3A_110 = tpu.vector_load_idx %arg8[%parallel_loop3A_109] : memref<27648xf32, #tpu.memory_space<vmem>>[vector<16xi32>], vector<16xf32>,
      %parallel_loop3A_111 = arith.constant 18432 : i32
      %parallel_loop3A_112 = vector.broadcast %parallel_loop3A_111 : i32 to vector<16xi32>
      %parallel_loop3A_113 = arith.addi %parallel_loop3A_83, %parallel_loop3A_112 : vector<16xi32>
      %parallel_loop3A_114 = tpu.vector_load_idx %arg8[%parallel_loop3A_113] : memref<27648xf32, #tpu.memory_space<vmem>>[vector<16xi32>], vector<16xf32>,
      %parallel_loop3A_115 = arith.addf %parallel_loop3A_110, %parallel_loop3A_114 : vector<16xf32>
      %parallel_loop3A_116 = arith.constant 0.000000e+00 : f32
      %parallel_loop3A_117 = vector.broadcast %parallel_loop3A_116 : f32 to vector<16xf32>
      %parallel_loop3A_118 = arith.cmpf oge, %parallel_loop3A_115, %parallel_loop3A_117 : vector<16xf32>
      %parallel_loop3A_119 = arith.constant 2.000000e-01 : f32
      %parallel_loop3A_120 = vector.broadcast %parallel_loop3A_119 : f32 to vector<16xf32>
      %parallel_loop3A_121 = arith.mulf %parallel_loop3A_120, %parallel_loop3A_115 : vector<16xf32>
      %parallel_loop3A_122 = arith.select %parallel_loop3A_118, %parallel_loop3A_115, %parallel_loop3A_121 : vector<16xi1>, vector<16xf32>
      %parallel_loop3A_123 = arith.constant 1 : i32
      %parallel_loop3A_124 = vector.broadcast %parallel_loop3A_123 : i32 to vector<16xi32>
      %parallel_loop3A_125 = arith.addi %parallel_loop3A_86, %parallel_loop3A_124 : vector<16xi32>
      %parallel_loop3A_126 = math.exp %parallel_loop3A_122 : vector<16xf32>
      tpu.vector_store_idx %arg9[%parallel_loop3A_125], %parallel_loop3A_126 {add = true} : memref<13824xf32, #tpu.memory_space<vmem>>[vector<16xi32>], vector<16xf32>,
      %parallel_loop3A_127 = arith.constant 9216 : i32
      %parallel_loop3A_128 = vector.broadcast %parallel_loop3A_127 : i32 to vector<16xi32>
      %parallel_loop3A_129 = arith.addi %parallel_loop3A_81, %parallel_loop3A_128 : vector<16xi32>
      %parallel_loop3A_130 = tpu.vector_load_idx %arg8[%parallel_loop3A_129] : memref<27648xf32, #tpu.memory_space<vmem>>[vector<16xi32>], vector<16xf32>,
      %parallel_loop3A_131 = arith.constant 23040 : i32
      %parallel_loop3A_132 = vector.broadcast %parallel_loop3A_131 : i32 to vector<16xi32>
      %parallel_loop3A_133 = arith.addi %parallel_loop3A_83, %parallel_loop3A_132 : vector<16xi32>
      %parallel_loop3A_134 = tpu.vector_load_idx %arg8[%parallel_loop3A_133] : memref<27648xf32, #tpu.memory_space<vmem>>[vector<16xi32>], vector<16xf32>,
      %parallel_loop3A_135 = arith.addf %parallel_loop3A_130, %parallel_loop3A_134 : vector<16xf32>
      %parallel_loop3A_136 = arith.constant 0.000000e+00 : f32
      %parallel_loop3A_137 = vector.broadcast %parallel_loop3A_136 : f32 to vector<16xf32>
      %parallel_loop3A_138 = arith.cmpf oge, %parallel_loop3A_135, %parallel_loop3A_137 : vector<16xf32>
      %parallel_loop3A_139 = arith.constant 2.000000e-01 : f32
      %parallel_loop3A_140 = vector.broadcast %parallel_loop3A_139 : f32 to vector<16xf32>
      %parallel_loop3A_141 = arith.mulf %parallel_loop3A_140, %parallel_loop3A_135 : vector<16xf32>
      %parallel_loop3A_142 = arith.select %parallel_loop3A_138, %parallel_loop3A_135, %parallel_loop3A_141 : vector<16xi1>, vector<16xf32>
      %parallel_loop3A_143 = arith.constant 2 : i32
      %parallel_loop3A_144 = vector.broadcast %parallel_loop3A_143 : i32 to vector<16xi32>
      %parallel_loop3A_145 = arith.addi %parallel_loop3A_86, %parallel_loop3A_144 : vector<16xi32>
      %parallel_loop3A_146 = math.exp %parallel_loop3A_142 : vector<16xf32>
      tpu.vector_store_idx %arg9[%parallel_loop3A_145], %parallel_loop3A_146 {add = true} : memref<13824xf32, #tpu.memory_space<vmem>>[vector<16xi32>], vector<16xf32>,
    } {sc.loop_unroll_factor = 2 : i64, sc.parallel_access}
    %mul3A_26 = arith.constant 13824 : i32
    %mul3A_27 = arith.muli %arg1, %mul3A_26 : i32
    "tpu.region"() ({
      %run_scoped3A_76 = tpu.sem_alloc : memref<!tpu.dma_semaphore, #tpu.memory_space<semaphore_mem>>
      %dma_start3A = tpu.memref_slice %arg12[%mul3A_27] : memref<221184xf32, #tpu.memory_space<vmem_shared>> -> memref<13824xf32, #tpu.memory_space<vmem_shared>>
      %dma_start3A_77 = tpu.memref_slice %arg12[%mul3A_27] : memref<221184xf32, #tpu.memory_space<vmem_shared>> -> memref<13824xf32, #tpu.memory_space<vmem_shared>>
      tpu.enqueue_dma source(%arg9 : memref<13824xf32, #tpu.memory_space<vmem>>) target(%dma_start3A_77 : memref<13824xf32, #tpu.memory_space<vmem_shared>>) target_semaphore(%run_scoped3A_76 : memref<!tpu.dma_semaphore, #tpu.memory_space<semaphore_mem>>)
      %dma_wait3A = tpu.memref_slice %arg12[%mul3A_27] : memref<221184xf32, #tpu.memory_space<vmem_shared>> -> memref<13824xf32, #tpu.memory_space<vmem_shared>>
      %dma_wait3A_78 = tpu.memref_slice %arg12[%mul3A_27] : memref<221184xf32, #tpu.memory_space<vmem_shared>> -> memref<13824xf32, #tpu.memory_space<vmem_shared>>
      tpu.wait_dma2 semaphore(%run_scoped3A_76 : memref<!tpu.dma_semaphore, #tpu.memory_space<semaphore_mem>>) src(%arg9 : memref<13824xf32, #tpu.memory_space<vmem>>) dst(%dma_wait3A_78 : memref<13824xf32, #tpu.memory_space<vmem_shared>>)
      tpu.yield
    }) : () -> ()
    %barrier3A = arith.constant 0 : index
    tpu.barrier barrier_id(%barrier3A)
    %mul3A_28 = arith.constant 864 : i32
    %mul3A_29 = arith.muli %arg1, %mul3A_28 : i32
    %scan3A = arith.constant 0 : i32
    %scan3A_30 = arith.constant 0 : i32
    %scan3A_31 = arith.constant 16 : i32
    %scan3A_32 = arith.addi %scan3A_30, %scan3A_31 : i32
    %scan3A_33 = arith.constant 1 : i32
    %scan3A_34 = scf.for %scan3A_76 = %scan3A_30 to %scan3A_32 step %scan3A_33 iter_args(%scan3A_77 = %scan3A) -> (i32)  : i32 {
      %ne3A = arith.cmpi ne, %scan3A_76, %arg1 : i32
      %convert_element_type3A = arith.extui %ne3A : i1 to i32
      %cond3A = arith.constant 0 : i32
      %cond3A_78 = arith.cmpi ne, %convert_element_type3A, %cond3A : i32
      scf.if %cond3A_78 {
        %mul3A_80 = arith.constant 13824 : i32
        %mul3A_81 = arith.muli %scan3A_76, %mul3A_80 : i32
        %add3A_82 = arith.addi %mul3A_81, %mul3A_29 : i32
        "tpu.region"() ({
          %run_scoped3A_86 = tpu.sem_alloc : memref<!tpu.dma_semaphore, #tpu.memory_space<semaphore_mem>>
          %dma_start3A = tpu.memref_slice %arg12[%add3A_82] : memref<221184xf32, #tpu.memory_space<vmem_shared>> -> memref<864xf32, #tpu.memory_space<vmem_shared>>
          %dma_start3A_87 = tpu.memref_slice %arg12[%add3A_82] : memref<221184xf32, #tpu.memory_space<vmem_shared>> -> memref<864xf32, #tpu.memory_space<vmem_shared>>
          tpu.enqueue_dma source(%dma_start3A_87 : memref<864xf32, #tpu.memory_space<vmem_shared>>) target(%arg11 : memref<864xf32, #tpu.memory_space<vmem>>) target_semaphore(%run_scoped3A_86 : memref<!tpu.dma_semaphore, #tpu.memory_space<semaphore_mem>>)
          %dma_wait3A = tpu.memref_slice %arg12[%add3A_82] : memref<221184xf32, #tpu.memory_space<vmem_shared>> -> memref<864xf32, #tpu.memory_space<vmem_shared>>
          %dma_wait3A_88 = tpu.memref_slice %arg12[%add3A_82] : memref<221184xf32, #tpu.memory_space<vmem_shared>> -> memref<864xf32, #tpu.memory_space<vmem_shared>>
          tpu.wait_dma2 semaphore(%run_scoped3A_86 : memref<!tpu.dma_semaphore, #tpu.memory_space<semaphore_mem>>) src(%dma_wait3A_88 : memref<864xf32, #tpu.memory_space<vmem_shared>>) dst(%arg11 : memref<864xf32, #tpu.memory_space<vmem>>)
          tpu.yield
        }) : () -> ()
        %parallel_loop3A_83 = arith.constant 0 : i32
        %parallel_loop3A_84 = arith.constant 54 : i32
        %parallel_loop3A_85 = arith.constant 1 : i32
        scf.for %parallel_loop3A_86 = %parallel_loop3A_83 to %parallel_loop3A_84 step %parallel_loop3A_85  : i32 {
          %parallel_loop3A_87 = arith.constant 16 : i32
          %parallel_loop3A_88 = arith.muli %parallel_loop3A_86, %parallel_loop3A_87 : i32
          %parallel_loop3A_89 = tpu.assume_multiple %parallel_loop3A_88, 16 : i32
          %parallel_loop3A_90 = arith.addi %mul3A_29, %parallel_loop3A_89 : i32
          %parallel_loop3A_91 = arith.index_cast %parallel_loop3A_90 : i32 to index
          %parallel_loop3A_92 = tpu.vector_load %arg9[%parallel_loop3A_91] {strides = array<i32>} : memref<13824xf32, #tpu.memory_space<vmem>>, vector<16xf32>,
          %parallel_loop3A_93 = arith.index_cast %parallel_loop3A_89 : i32 to index
          %parallel_loop3A_94 = tpu.vector_load %arg11[%parallel_loop3A_93] {strides = array<i32>} : memref<864xf32, #tpu.memory_space<vmem>>, vector<16xf32>,
          %parallel_loop3A_95 = arith.addf %parallel_loop3A_92, %parallel_loop3A_94 : vector<16xf32>
          %parallel_loop3A_96 = arith.addi %mul3A_29, %parallel_loop3A_89 : i32
          %parallel_loop3A_97 = arith.index_cast %parallel_loop3A_96 : i32 to index
          %parallel_loop3A_98 = tpu.vector_load %arg9[%parallel_loop3A_97] {strides = array<i32>} : memref<13824xf32, #tpu.memory_space<vmem>>, vector<16xf32>,
          tpu.vector_store %arg9[%parallel_loop3A_97], %parallel_loop3A_95 {strides = array<i32>} : memref<13824xf32, #tpu.memory_space<vmem>>, vector<16xf32>,
        } {sc.loop_unroll_factor = 2 : i64, sc.parallel_access}
      } else {
      }
      %scan3A_79 = arith.constant 0 : i32
      scf.yield %scan3A_79 : i32
    }
    %scan3A_35 = arith.constant 16 : i32
    %parallel_loop3A_36 = arith.constant 0 : i32
    %parallel_loop3A_37 = arith.constant 54 : i32
    %parallel_loop3A_38 = arith.constant 1 : i32
    scf.for %parallel_loop3A_76 = %parallel_loop3A_36 to %parallel_loop3A_37 step %parallel_loop3A_38  : i32 {
      %parallel_loop3A_77 = arith.constant 16 : i32
      %parallel_loop3A_78 = arith.muli %parallel_loop3A_76, %parallel_loop3A_77 : i32
      %parallel_loop3A_79 = tpu.assume_multiple %parallel_loop3A_78, 16 : i32
      %parallel_loop3A_80 = arith.addi %mul3A_29, %parallel_loop3A_79 : i32
      %parallel_loop3A_81 = arith.index_cast %parallel_loop3A_80 : i32 to index
      %parallel_loop3A_82 = tpu.vector_load %arg9[%parallel_loop3A_81] {strides = array<i32>} : memref<13824xf32, #tpu.memory_space<vmem>>, vector<16xf32>,
      %parallel_loop3A_83 = arith.constant 1.000000e-16 : f32
      %parallel_loop3A_84 = vector.broadcast %parallel_loop3A_83 : f32 to vector<16xf32>
      %parallel_loop3A_85 = arith.addf %parallel_loop3A_82, %parallel_loop3A_84 : vector<16xf32>
      %parallel_loop3A_86 = arith.constant 1.000000e+00 : f32
      %parallel_loop3A_87 = vector.broadcast %parallel_loop3A_86 : f32 to vector<16xf32>
      %parallel_loop3A_88 = arith.divf %parallel_loop3A_87, %parallel_loop3A_85 : vector<16xf32>
      %parallel_loop3A_89 = arith.addi %mul3A_29, %parallel_loop3A_79 : i32
      %parallel_loop3A_90 = arith.index_cast %parallel_loop3A_89 : i32 to index
      %parallel_loop3A_91 = tpu.vector_load %arg9[%parallel_loop3A_90] {strides = array<i32>} : memref<13824xf32, #tpu.memory_space<vmem>>, vector<16xf32>,
      tpu.vector_store %arg9[%parallel_loop3A_90], %parallel_loop3A_88 {strides = array<i32>} : memref<13824xf32, #tpu.memory_space<vmem>>, vector<16xf32>,
    } {sc.loop_unroll_factor = 2 : i64, sc.parallel_access}
    "tpu.region"() ({
      %run_scoped3A_76 = tpu.sem_alloc : memref<!tpu.dma_semaphore, #tpu.memory_space<semaphore_mem>>
      %dma_start3A = tpu.memref_slice %arg9[%mul3A_29] : memref<13824xf32, #tpu.memory_space<vmem>> -> memref<864xf32, #tpu.memory_space<vmem>>
      %dma_start3A_77 = tpu.memref_slice %arg13[%mul3A_29] : memref<13824xf32, #tpu.memory_space<vmem_shared>> -> memref<864xf32, #tpu.memory_space<vmem_shared>>
      %dma_start3A_78 = tpu.memref_slice %arg13[%mul3A_29] : memref<13824xf32, #tpu.memory_space<vmem_shared>> -> memref<864xf32, #tpu.memory_space<vmem_shared>>
      %dma_start3A_79 = tpu.memref_slice %arg9[%mul3A_29] : memref<13824xf32, #tpu.memory_space<vmem>> -> memref<864xf32, #tpu.memory_space<vmem>>
      tpu.enqueue_dma source(%dma_start3A_79 : memref<864xf32, #tpu.memory_space<vmem>>) target(%dma_start3A_78 : memref<864xf32, #tpu.memory_space<vmem_shared>>) target_semaphore(%run_scoped3A_76 : memref<!tpu.dma_semaphore, #tpu.memory_space<semaphore_mem>>)
      %dma_wait3A = tpu.memref_slice %arg9[%mul3A_29] : memref<13824xf32, #tpu.memory_space<vmem>> -> memref<864xf32, #tpu.memory_space<vmem>>
      %dma_wait3A_80 = tpu.memref_slice %arg13[%mul3A_29] : memref<13824xf32, #tpu.memory_space<vmem_shared>> -> memref<864xf32, #tpu.memory_space<vmem_shared>>
      %dma_wait3A_81 = tpu.memref_slice %arg13[%mul3A_29] : memref<13824xf32, #tpu.memory_space<vmem_shared>> -> memref<864xf32, #tpu.memory_space<vmem_shared>>
      %dma_wait3A_82 = tpu.memref_slice %arg9[%mul3A_29] : memref<13824xf32, #tpu.memory_space<vmem>> -> memref<864xf32, #tpu.memory_space<vmem>>
      tpu.wait_dma2 semaphore(%run_scoped3A_76 : memref<!tpu.dma_semaphore, #tpu.memory_space<semaphore_mem>>) src(%dma_wait3A_82 : memref<864xf32, #tpu.memory_space<vmem>>) dst(%dma_wait3A_81 : memref<864xf32, #tpu.memory_space<vmem_shared>>)
      tpu.yield
    }) : () -> ()
    %barrier3A_39 = arith.constant 0 : index
    tpu.barrier barrier_id(%barrier3A_39)
    "tpu.region"() ({
      %run_scoped3A_76 = tpu.sem_alloc : memref<!tpu.dma_semaphore, #tpu.memory_space<semaphore_mem>>
      tpu.enqueue_dma source(%arg13 : memref<13824xf32, #tpu.memory_space<vmem_shared>>) target(%arg9 : memref<13824xf32, #tpu.memory_space<vmem>>) target_semaphore(%run_scoped3A_76 : memref<!tpu.dma_semaphore, #tpu.memory_space<semaphore_mem>>)
      tpu.wait_dma2 semaphore(%run_scoped3A_76 : memref<!tpu.dma_semaphore, #tpu.memory_space<semaphore_mem>>) src(%arg13 : memref<13824xf32, #tpu.memory_space<vmem_shared>>) dst(%arg9 : memref<13824xf32, #tpu.memory_space<vmem>>)
      tpu.yield
    }) : () -> ()
    %parallel_loop3A_40 = arith.constant 0 : i32
    %parallel_loop3A_41 = arith.constant 1106 : i32
    %parallel_loop3A_42 = arith.constant 1 : i32
    scf.for %parallel_loop3A_76 = %parallel_loop3A_40 to %parallel_loop3A_41 step %parallel_loop3A_42  : i32 {
      %parallel_loop3A_77 = arith.constant 16 : i32
      %parallel_loop3A_78 = arith.muli %parallel_loop3A_76, %parallel_loop3A_77 : i32
      %parallel_loop3A_79 = tpu.assume_multiple %parallel_loop3A_78, 16 : i32
      %parallel_loop3A_80 = arith.index_cast %parallel_loop3A_79 : i32 to index
      %parallel_loop3A_81 = tpu.vector_load %arg6[%parallel_loop3A_80] {strides = array<i32>} : memref<17696xi32, #tpu.memory_space<vmem>>, vector<16xi32>,
      %parallel_loop3A_82 = arith.index_cast %parallel_loop3A_79 : i32 to index
      %parallel_loop3A_83 = tpu.vector_load %arg7[%parallel_loop3A_82] {strides = array<i32>} : memref<17696xi32, #tpu.memory_space<vmem>>, vector<16xi32>,
      %parallel_loop3A_84 = arith.constant 0 : i32
      %parallel_loop3A_85 = vector.broadcast %parallel_loop3A_84 : i32 to vector<16xi32>
      %parallel_loop3A_86 = arith.addi %parallel_loop3A_81, %parallel_loop3A_85 : vector<16xi32>
      %parallel_loop3A_87 = tpu.vector_load_idx %arg8[%parallel_loop3A_86] : memref<27648xf32, #tpu.memory_space<vmem>>[vector<16xi32>], vector<16xf32>,
      %parallel_loop3A_88 = arith.constant 13824 : i32
      %parallel_loop3A_89 = vector.broadcast %parallel_loop3A_88 : i32 to vector<16xi32>
      %parallel_loop3A_90 = arith.addi %parallel_loop3A_83, %parallel_loop3A_89 : vector<16xi32>
      %parallel_loop3A_91 = tpu.vector_load_idx %arg8[%parallel_loop3A_90] : memref<27648xf32, #tpu.memory_space<vmem>>[vector<16xi32>], vector<16xf32>,
      %parallel_loop3A_92 = arith.addf %parallel_loop3A_87, %parallel_loop3A_91 : vector<16xf32>
      %parallel_loop3A_93 = arith.constant 0.000000e+00 : f32
      %parallel_loop3A_94 = vector.broadcast %parallel_loop3A_93 : f32 to vector<16xf32>
      %parallel_loop3A_95 = arith.cmpf oge, %parallel_loop3A_92, %parallel_loop3A_94 : vector<16xf32>
      %parallel_loop3A_96 = arith.constant 2.000000e-01 : f32
      %parallel_loop3A_97 = vector.broadcast %parallel_loop3A_96 : f32 to vector<16xf32>
      %parallel_loop3A_98 = arith.mulf %parallel_loop3A_97, %parallel_loop3A_92 : vector<16xf32>
      %parallel_loop3A_99 = arith.select %parallel_loop3A_95, %parallel_loop3A_92, %parallel_loop3A_98 : vector<16xi1>, vector<16xf32>
      %parallel_loop3A_100 = arith.constant 3 : i32
      %parallel_loop3A_101 = vector.broadcast %parallel_loop3A_100 : i32 to vector<16xi32>
      %parallel_loop3A_102 = arith.muli %parallel_loop3A_83, %parallel_loop3A_101 : vector<16xi32>
      %parallel_loop3A_103 = arith.constant 0 : i32
      %parallel_loop3A_104 = vector.broadcast %parallel_loop3A_103 : i32 to vector<16xi32>
      %parallel_loop3A_105 = arith.addi %parallel_loop3A_102, %parallel_loop3A_104 : vector<16xi32>
      %parallel_loop3A_106 = tpu.vector_load_idx %arg9[%parallel_loop3A_105] : memref<13824xf32, #tpu.memory_space<vmem>>[vector<16xi32>], vector<16xf32>,
      %parallel_loop3A_107 = math.exp %parallel_loop3A_99 : vector<16xf32>
      %parallel_loop3A_108 = arith.mulf %parallel_loop3A_107, %parallel_loop3A_106 : vector<16xf32>
      %parallel_loop3A_109 = arith.index_cast %parallel_loop3A_79 : i32 to index
      %parallel_loop3A_110 = tpu.vector_load %arg10[%parallel_loop3A_109] {strides = array<i32>} : memref<17696xf32, #tpu.memory_space<vmem>>, vector<16xf32>,
      tpu.vector_store %arg10[%parallel_loop3A_109], %parallel_loop3A_108 {strides = array<i32>} : memref<17696xf32, #tpu.memory_space<vmem>>, vector<16xf32>,
    } {sc.loop_unroll_factor = 2 : i64, sc.parallel_access}
    %mul3A_43 = arith.constant 3 : i32
    %mul3A_44 = arith.muli %arg0, %mul3A_43 : i32
    %add3A_45 = arith.constant 0 : i32
    %add3A_46 = arith.addi %mul3A_44, %add3A_45 : i32
    %mul3A_47 = arith.constant 283136 : i32
    %mul3A_48 = arith.muli %add3A_46, %mul3A_47 : i32
    %mul3A_49 = arith.constant 17696 : i32
    %mul3A_50 = arith.muli %arg1, %mul3A_49 : i32
    %add3A_51 = arith.addi %mul3A_48, %mul3A_50 : i32
    "tpu.region"() ({
      %run_scoped3A_76 = tpu.sem_alloc : memref<!tpu.dma_semaphore, #tpu.memory_space<semaphore_mem>>
      %dma_start3A = tpu.memref_slice %arg5[%add3A_51] : memref<1698816xf32, #tpu.memory_space<hbm>> -> memref<17696xf32, #tpu.memory_space<hbm>>
      %dma_start3A_77 = tpu.memref_slice %arg5[%add3A_51] : memref<1698816xf32, #tpu.memory_space<hbm>> -> memref<17696xf32, #tpu.memory_space<hbm>>
      tpu.enqueue_dma source(%arg10 : memref<17696xf32, #tpu.memory_space<vmem>>) target(%dma_start3A_77 : memref<17696xf32, #tpu.memory_space<hbm>>) target_semaphore(%run_scoped3A_76 : memref<!tpu.dma_semaphore, #tpu.memory_space<semaphore_mem>>)
      %dma_wait3A = tpu.memref_slice %arg5[%add3A_51] : memref<1698816xf32, #tpu.memory_space<hbm>> -> memref<17696xf32, #tpu.memory_space<hbm>>
      %dma_wait3A_78 = tpu.memref_slice %arg5[%add3A_51] : memref<1698816xf32, #tpu.memory_space<hbm>> -> memref<17696xf32, #tpu.memory_space<hbm>>
      tpu.wait_dma2 semaphore(%run_scoped3A_76 : memref<!tpu.dma_semaphore, #tpu.memory_space<semaphore_mem>>) src(%arg10 : memref<17696xf32, #tpu.memory_space<vmem>>) dst(%dma_wait3A_78 : memref<17696xf32, #tpu.memory_space<hbm>>)
      tpu.yield
    }) : () -> ()
    %parallel_loop3A_52 = arith.constant 0 : i32
    %parallel_loop3A_53 = arith.constant 1106 : i32
    %parallel_loop3A_54 = arith.constant 1 : i32
    scf.for %parallel_loop3A_76 = %parallel_loop3A_52 to %parallel_loop3A_53 step %parallel_loop3A_54  : i32 {
      %parallel_loop3A_77 = arith.constant 16 : i32
      %parallel_loop3A_78 = arith.muli %parallel_loop3A_76, %parallel_loop3A_77 : i32
      %parallel_loop3A_79 = tpu.assume_multiple %parallel_loop3A_78, 16 : i32
      %parallel_loop3A_80 = arith.index_cast %parallel_loop3A_79 : i32 to index
      %parallel_loop3A_81 = tpu.vector_load %arg6[%parallel_loop3A_80] {strides = array<i32>} : memref<17696xi32, #tpu.memory_space<vmem>>, vector<16xi32>,
      %parallel_loop3A_82 = arith.index_cast %parallel_loop3A_79 : i32 to index
      %parallel_loop3A_83 = tpu.vector_load %arg7[%parallel_loop3A_82] {strides = array<i32>} : memref<17696xi32, #tpu.memory_space<vmem>>, vector<16xi32>,
      %parallel_loop3A_84 = arith.constant 4608 : i32
      %parallel_loop3A_85 = vector.broadcast %parallel_loop3A_84 : i32 to vector<16xi32>
      %parallel_loop3A_86 = arith.addi %parallel_loop3A_81, %parallel_loop3A_85 : vector<16xi32>
      %parallel_loop3A_87 = tpu.vector_load_idx %arg8[%parallel_loop3A_86] : memref<27648xf32, #tpu.memory_space<vmem>>[vector<16xi32>], vector<16xf32>,
      %parallel_loop3A_88 = arith.constant 18432 : i32
      %parallel_loop3A_89 = vector.broadcast %parallel_loop3A_88 : i32 to vector<16xi32>
      %parallel_loop3A_90 = arith.addi %parallel_loop3A_83, %parallel_loop3A_89 : vector<16xi32>
      %parallel_loop3A_91 = tpu.vector_load_idx %arg8[%parallel_loop3A_90] : memref<27648xf32, #tpu.memory_space<vmem>>[vector<16xi32>], vector<16xf32>,
      %parallel_loop3A_92 = arith.addf %parallel_loop3A_87, %parallel_loop3A_91 : vector<16xf32>
      %parallel_loop3A_93 = arith.constant 0.000000e+00 : f32
      %parallel_loop3A_94 = vector.broadcast %parallel_loop3A_93 : f32 to vector<16xf32>
      %parallel_loop3A_95 = arith.cmpf oge, %parallel_loop3A_92, %parallel_loop3A_94 : vector<16xf32>
      %parallel_loop3A_96 = arith.constant 2.000000e-01 : f32
      %parallel_loop3A_97 = vector.broadcast %parallel_loop3A_96 : f32 to vector<16xf32>
      %parallel_loop3A_98 = arith.mulf %parallel_loop3A_97, %parallel_loop3A_92 : vector<16xf32>
      %parallel_loop3A_99 = arith.select %parallel_loop3A_95, %parallel_loop3A_92, %parallel_loop3A_98 : vector<16xi1>, vector<16xf32>
      %parallel_loop3A_100 = arith.constant 3 : i32
      %parallel_loop3A_101 = vector.broadcast %parallel_loop3A_100 : i32 to vector<16xi32>
      %parallel_loop3A_102 = arith.muli %parallel_loop3A_83, %parallel_loop3A_101 : vector<16xi32>
      %parallel_loop3A_103 = arith.constant 1 : i32
      %parallel_loop3A_104 = vector.broadcast %parallel_loop3A_103 : i32 to vector<16xi32>
      %parallel_loop3A_105 = arith.addi %parallel_loop3A_102, %parallel_loop3A_104 : vector<16xi32>
      %parallel_loop3A_106 = tpu.vector_load_idx %arg9[%parallel_loop3A_105] : memref<13824xf32, #tpu.memory_space<vmem>>[vector<16xi32>], vector<16xf32>,
      %parallel_loop3A_107 = math.exp %parallel_loop3A_99 : vector<16xf32>
      %parallel_loop3A_108 = arith.mulf %parallel_loop3A_107, %parallel_loop3A_106 : vector<16xf32>
      %parallel_loop3A_109 = arith.index_cast %parallel_loop3A_79 : i32 to index
      %parallel_loop3A_110 = tpu.vector_load %arg10[%parallel_loop3A_109] {strides = array<i32>} : memref<17696xf32, #tpu.memory_space<vmem>>, vector<16xf32>,
      tpu.vector_store %arg10[%parallel_loop3A_109], %parallel_loop3A_108 {strides = array<i32>} : memref<17696xf32, #tpu.memory_space<vmem>>, vector<16xf32>,
    } {sc.loop_unroll_factor = 2 : i64, sc.parallel_access}
    %mul3A_55 = arith.constant 3 : i32
    %mul3A_56 = arith.muli %arg0, %mul3A_55 : i32
    %add3A_57 = arith.constant 1 : i32
    %add3A_58 = arith.addi %mul3A_56, %add3A_57 : i32
    %mul3A_59 = arith.constant 283136 : i32
    %mul3A_60 = arith.muli %add3A_58, %mul3A_59 : i32
    %mul3A_61 = arith.constant 17696 : i32
    %mul3A_62 = arith.muli %arg1, %mul3A_61 : i32
    %add3A_63 = arith.addi %mul3A_60, %mul3A_62 : i32
    "tpu.region"() ({
      %run_scoped3A_76 = tpu.sem_alloc : memref<!tpu.dma_semaphore, #tpu.memory_space<semaphore_mem>>
      %dma_start3A = tpu.memref_slice %arg5[%add3A_63] : memref<1698816xf32, #tpu.memory_space<hbm>> -> memref<17696xf32, #tpu.memory_space<hbm>>
      %dma_start3A_77 = tpu.memref_slice %arg5[%add3A_63] : memref<1698816xf32, #tpu.memory_space<hbm>> -> memref<17696xf32, #tpu.memory_space<hbm>>
      tpu.enqueue_dma source(%arg10 : memref<17696xf32, #tpu.memory_space<vmem>>) target(%dma_start3A_77 : memref<17696xf32, #tpu.memory_space<hbm>>) target_semaphore(%run_scoped3A_76 : memref<!tpu.dma_semaphore, #tpu.memory_space<semaphore_mem>>)
      %dma_wait3A = tpu.memref_slice %arg5[%add3A_63] : memref<1698816xf32, #tpu.memory_space<hbm>> -> memref<17696xf32, #tpu.memory_space<hbm>>
      %dma_wait3A_78 = tpu.memref_slice %arg5[%add3A_63] : memref<1698816xf32, #tpu.memory_space<hbm>> -> memref<17696xf32, #tpu.memory_space<hbm>>
      tpu.wait_dma2 semaphore(%run_scoped3A_76 : memref<!tpu.dma_semaphore, #tpu.memory_space<semaphore_mem>>) src(%arg10 : memref<17696xf32, #tpu.memory_space<vmem>>) dst(%dma_wait3A_78 : memref<17696xf32, #tpu.memory_space<hbm>>)
      tpu.yield
    }) : () -> ()
    %parallel_loop3A_64 = arith.constant 0 : i32
    %parallel_loop3A_65 = arith.constant 1106 : i32
    %parallel_loop3A_66 = arith.constant 1 : i32
    scf.for %parallel_loop3A_76 = %parallel_loop3A_64 to %parallel_loop3A_65 step %parallel_loop3A_66  : i32 {
      %parallel_loop3A_77 = arith.constant 16 : i32
      %parallel_loop3A_78 = arith.muli %parallel_loop3A_76, %parallel_loop3A_77 : i32
      %parallel_loop3A_79 = tpu.assume_multiple %parallel_loop3A_78, 16 : i32
      %parallel_loop3A_80 = arith.index_cast %parallel_loop3A_79 : i32 to index
      %parallel_loop3A_81 = tpu.vector_load %arg6[%parallel_loop3A_80] {strides = array<i32>} : memref<17696xi32, #tpu.memory_space<vmem>>, vector<16xi32>,
      %parallel_loop3A_82 = arith.index_cast %parallel_loop3A_79 : i32 to index
      %parallel_loop3A_83 = tpu.vector_load %arg7[%parallel_loop3A_82] {strides = array<i32>} : memref<17696xi32, #tpu.memory_space<vmem>>, vector<16xi32>,
      %parallel_loop3A_84 = arith.constant 9216 : i32
      %parallel_loop3A_85 = vector.broadcast %parallel_loop3A_84 : i32 to vector<16xi32>
      %parallel_loop3A_86 = arith.addi %parallel_loop3A_81, %parallel_loop3A_85 : vector<16xi32>
      %parallel_loop3A_87 = tpu.vector_load_idx %arg8[%parallel_loop3A_86] : memref<27648xf32, #tpu.memory_space<vmem>>[vector<16xi32>], vector<16xf32>,
      %parallel_loop3A_88 = arith.constant 23040 : i32
      %parallel_loop3A_89 = vector.broadcast %parallel_loop3A_88 : i32 to vector<16xi32>
      %parallel_loop3A_90 = arith.addi %parallel_loop3A_83, %parallel_loop3A_89 : vector<16xi32>
      %parallel_loop3A_91 = tpu.vector_load_idx %arg8[%parallel_loop3A_90] : memref<27648xf32, #tpu.memory_space<vmem>>[vector<16xi32>], vector<16xf32>,
      %parallel_loop3A_92 = arith.addf %parallel_loop3A_87, %parallel_loop3A_91 : vector<16xf32>
      %parallel_loop3A_93 = arith.constant 0.000000e+00 : f32
      %parallel_loop3A_94 = vector.broadcast %parallel_loop3A_93 : f32 to vector<16xf32>
      %parallel_loop3A_95 = arith.cmpf oge, %parallel_loop3A_92, %parallel_loop3A_94 : vector<16xf32>
      %parallel_loop3A_96 = arith.constant 2.000000e-01 : f32
      %parallel_loop3A_97 = vector.broadcast %parallel_loop3A_96 : f32 to vector<16xf32>
      %parallel_loop3A_98 = arith.mulf %parallel_loop3A_97, %parallel_loop3A_92 : vector<16xf32>
      %parallel_loop3A_99 = arith.select %parallel_loop3A_95, %parallel_loop3A_92, %parallel_loop3A_98 : vector<16xi1>, vector<16xf32>
      %parallel_loop3A_100 = arith.constant 3 : i32
      %parallel_loop3A_101 = vector.broadcast %parallel_loop3A_100 : i32 to vector<16xi32>
      %parallel_loop3A_102 = arith.muli %parallel_loop3A_83, %parallel_loop3A_101 : vector<16xi32>
      %parallel_loop3A_103 = arith.constant 2 : i32
      %parallel_loop3A_104 = vector.broadcast %parallel_loop3A_103 : i32 to vector<16xi32>
      %parallel_loop3A_105 = arith.addi %parallel_loop3A_102, %parallel_loop3A_104 : vector<16xi32>
      %parallel_loop3A_106 = tpu.vector_load_idx %arg9[%parallel_loop3A_105] : memref<13824xf32, #tpu.memory_space<vmem>>[vector<16xi32>], vector<16xf32>,
      %parallel_loop3A_107 = math.exp %parallel_loop3A_99 : vector<16xf32>
      %parallel_loop3A_108 = arith.mulf %parallel_loop3A_107, %parallel_loop3A_106 : vector<16xf32>
      %parallel_loop3A_109 = arith.index_cast %parallel_loop3A_79 : i32 to index
      %parallel_loop3A_110 = tpu.vector_load %arg10[%parallel_loop3A_109] {strides = array<i32>} : memref<17696xf32, #tpu.memory_space<vmem>>, vector<16xf32>,
      tpu.vector_store %arg10[%parallel_loop3A_109], %parallel_loop3A_108 {strides = array<i32>} : memref<17696xf32, #tpu.memory_space<vmem>>, vector<16xf32>,
    } {sc.loop_unroll_factor = 2 : i64, sc.parallel_access}
    %mul3A_67 = arith.constant 3 : i32
    %mul3A_68 = arith.muli %arg0, %mul3A_67 : i32
    %add3A_69 = arith.constant 2 : i32
    %add3A_70 = arith.addi %mul3A_68, %add3A_69 : i32
    %mul3A_71 = arith.constant 283136 : i32
    %mul3A_72 = arith.muli %add3A_70, %mul3A_71 : i32
    %mul3A_73 = arith.constant 17696 : i32
    %mul3A_74 = arith.muli %arg1, %mul3A_73 : i32
    %add3A_75 = arith.addi %mul3A_72, %mul3A_74 : i32
    "tpu.region"() ({
      %run_scoped3A_76 = tpu.sem_alloc : memref<!tpu.dma_semaphore, #tpu.memory_space<semaphore_mem>>
      %dma_start3A = tpu.memref_slice %arg5[%add3A_75] : memref<1698816xf32, #tpu.memory_space<hbm>> -> memref<17696xf32, #tpu.memory_space<hbm>>
      %dma_start3A_77 = tpu.memref_slice %arg5[%add3A_75] : memref<1698816xf32, #tpu.memory_space<hbm>> -> memref<17696xf32, #tpu.memory_space<hbm>>
      tpu.enqueue_dma source(%arg10 : memref<17696xf32, #tpu.memory_space<vmem>>) target(%dma_start3A_77 : memref<17696xf32, #tpu.memory_space<hbm>>) target_semaphore(%run_scoped3A_76 : memref<!tpu.dma_semaphore, #tpu.memory_space<semaphore_mem>>)
      %dma_wait3A = tpu.memref_slice %arg5[%add3A_75] : memref<1698816xf32, #tpu.memory_space<hbm>> -> memref<17696xf32, #tpu.memory_space<hbm>>
      %dma_wait3A_78 = tpu.memref_slice %arg5[%add3A_75] : memref<1698816xf32, #tpu.memory_space<hbm>> -> memref<17696xf32, #tpu.memory_space<hbm>>
      tpu.wait_dma2 semaphore(%run_scoped3A_76 : memref<!tpu.dma_semaphore, #tpu.memory_space<semaphore_mem>>) src(%arg10 : memref<17696xf32, #tpu.memory_space<vmem>>) dst(%dma_wait3A_78 : memref<17696xf32, #tpu.memory_space<hbm>>)
      tpu.yield
    }) : () -> ()
    return
  }
}

module attributes {stable_mosaic.version = 14 : i64} {
  func.func @_bigmm_body(%arg0: i32, %arg1: memref<256x128xf32, #tpu.memory_space<vmem>>, %arg2: memref<128x4096xf32, #tpu.memory_space<vmem>>, %arg3: memref<256x4096xf32, #tpu.memory_space<vmem>>, %arg4: memref<256x4096xf32, #tpu.memory_space<vmem>>, %arg5: memref<256x4096xf32, #tpu.memory_space<vmem>>) attributes {dimension_semantics = [#tpu.dimension_semantics<arbitrary>], iteration_bounds = array<i64: 16>, scalar_prefetch = 0 : i64, scratch_operands = 0 : i64, tpu.core_type = #tpu.core_type<tc>, window_params = [{transform_indices = @transform_0, window_bounds = array<i64: 256, 128>}, {pipeline_mode = #tpu.pipeline_mode<synchronous>, transform_indices = @transform_1, window_bounds = array<i64: 128, 4096>}, {transform_indices = @transform_2, window_bounds = array<i64: 256, 4096>}, {transform_indices = @transform_3, window_bounds = array<i64: 256, 4096>}, {transform_indices = @transform_4, window_bounds = array<i64: 256, 4096>}]} {
    %get3A = arith.constant 0 : index
    %get3A_0 = arith.constant 0 : index
    %get3A_1 = vector.load %arg1[%get3A, %get3A_0] : memref<256x128xf32, #tpu.memory_space<vmem>>, vector<256x128xf32>
    %get3A_2 = arith.constant 0 : index
    %get3A_3 = arith.constant 0 : index
    %get3A_4 = vector.load %arg2[%get3A_2, %get3A_3] : memref<128x4096xf32, #tpu.memory_space<vmem>>, vector<128x4096xf32>
    %dot_general3A = arith.constant dense<0.000000e+00> : vector<256x4096xf32>
    %dot_general3A_5 = tpu.matmul %get3A_1, %get3A_4, %dot_general3A {dimension_numbers = #tpu.dot_dimension_numbers<[1], [0], [0], [1], [0, 0, 1, 1], [], []>, transpose_lhs_hint = false} : vector<256x128xf32>, vector<128x4096xf32>, vector<256x4096xf32> -> vector<256x4096xf32>
    %swap3A = arith.constant 0 : index
    %swap3A_6 = arith.constant 0 : index
    %swap3A_7 = vector.load %arg3[%swap3A, %swap3A_6] : memref<256x4096xf32, #tpu.memory_space<vmem>>, vector<256x4096xf32>
    tpu.vector_store %arg3[%swap3A, %swap3A_6], %dot_general3A_5 {strides = array<i32>} : memref<256x4096xf32, #tpu.memory_space<vmem>>, vector<256x4096xf32>,
    %swap3A_8 = arith.constant 0 : index
    %swap3A_9 = arith.constant 0 : index
    %swap3A_10 = vector.load %arg4[%swap3A_8, %swap3A_9] : memref<256x4096xf32, #tpu.memory_space<vmem>>, vector<256x4096xf32>
    tpu.vector_store %arg4[%swap3A_8, %swap3A_9], %dot_general3A_5 {strides = array<i32>} : memref<256x4096xf32, #tpu.memory_space<vmem>>, vector<256x4096xf32>,
    %add3A = arith.addf %dot_general3A_5, %dot_general3A_5 : vector<256x4096xf32>
    %swap3A_11 = arith.constant 0 : index
    %swap3A_12 = arith.constant 0 : index
    %swap3A_13 = vector.load %arg5[%swap3A_11, %swap3A_12] : memref<256x4096xf32, #tpu.memory_space<vmem>>, vector<256x4096xf32>
    tpu.vector_store %arg5[%swap3A_11, %swap3A_12], %add3A {strides = array<i32>} : memref<256x4096xf32, #tpu.memory_space<vmem>>, vector<256x4096xf32>,
    return
  }
  func.func @transform_0(%arg0: i32) -> (i32, i32) {
    %c0_i32 = arith.constant 0 : i32
    %c0_i32_0 = arith.constant 0 : i32
    return %arg0, %c0_i32 : i32, i32
  }
  func.func @transform_1(%arg0: i32) -> (i32, i32) {
    %c0_i32 = arith.constant 0 : i32
    %c0_i32_0 = arith.constant 0 : i32
    %c0_i32_1 = arith.constant 0 : i32
    return %c0_i32, %c0_i32_0 : i32, i32
  }
  func.func @transform_2(%arg0: i32) -> (i32, i32) {
    %c0_i32 = arith.constant 0 : i32
    %c0_i32_0 = arith.constant 0 : i32
    return %arg0, %c0_i32 : i32, i32
  }
  func.func @transform_3(%arg0: i32) -> (i32, i32) {
    %c0_i32 = arith.constant 0 : i32
    %c0_i32_0 = arith.constant 0 : i32
    return %arg0, %c0_i32 : i32, i32
  }
  func.func @transform_4(%arg0: i32) -> (i32, i32) {
    %c0_i32 = arith.constant 0 : i32
    %c0_i32_0 = arith.constant 0 : i32
    return %arg0, %c0_i32 : i32, i32
  }
}

module attributes {stable_mosaic.version = 14 : i64} {
  func.func @_edges_body(%arg0: memref<2x262144xi32, #tpu.memory_space<vmem>>, %arg1: memref<2x262144xi32, #tpu.memory_space<vmem>>, %arg2: memref<2x16384xi32, #tpu.memory_space<vmem>>, %arg3: memref<2x16384xi32, #tpu.memory_space<vmem>>, %arg4: memref<2x266240xi32, #tpu.memory_space<vmem>>, %arg5: memref<2x266240xi32, #tpu.memory_space<vmem>>, %arg6: memref<2x16896xi32, #tpu.memory_space<vmem>>, %arg7: memref<2x16896xi32, #tpu.memory_space<vmem>>, %arg8: memref<566272xi32, #tpu.memory_space<vmem>>, %arg9: memref<566272xi32, #tpu.memory_space<vmem>>) attributes {dimension_semantics = [], scalar_prefetch = 0 : i64, scratch_operands = 0 : i64, tpu.core_type = #tpu.core_type<tc>} {
    %iota3A = tpu.iota {dimensions = array<i32: 1>} : vector<1x4096xi32>
    %squeeze3A = vector.shape_cast %iota3A : vector<1x4096xi32> to vector<4096xi32>
    %iota3A_0 = tpu.iota {dimensions = array<i32: 1>} : vector<1x512xi32>
    %squeeze3A_1 = vector.shape_cast %iota3A_0 : vector<1x512xi32> to vector<512xi32>
    %add3A = arith.constant 4096 : i32
    %add3A_2 = vector.broadcast %add3A : i32 to vector<512xi32>
    %add3A_3 = arith.addi %squeeze3A_1, %add3A_2 : vector<512xi32>
    %get3A = arith.constant 0 : index
    %get3A_4 = arith.constant 0 : index
    %get3A_5 = vector.load %arg0[%get3A, %get3A_4] : memref<2x262144xi32, #tpu.memory_space<vmem>>, vector<1x262144xi32>
    %get3A_6 = vector.shape_cast %get3A_5 : vector<1x262144xi32> to vector<262144xi32>
    %get3A_7 = arith.constant 0 : index
    %get3A_8 = arith.constant 0 : index
    %get3A_9 = vector.load %arg1[%get3A_7, %get3A_8] : memref<2x262144xi32, #tpu.memory_space<vmem>>, vector<1x262144xi32>
    %get3A_10 = vector.shape_cast %get3A_9 : vector<1x262144xi32> to vector<262144xi32>
    %get3A_11 = arith.constant 0 : index
    %get3A_12 = arith.constant 0 : index
    %get3A_13 = vector.load %arg2[%get3A_11, %get3A_12] : memref<2x16384xi32, #tpu.memory_space<vmem>>, vector<1x16384xi32>
    %get3A_14 = vector.shape_cast %get3A_13 : vector<1x16384xi32> to vector<16384xi32>
    %get3A_15 = arith.constant 0 : index
    %get3A_16 = arith.constant 0 : index
    %get3A_17 = vector.load %arg3[%get3A_15, %get3A_16] : memref<2x16384xi32, #tpu.memory_space<vmem>>, vector<1x16384xi32>
    %get3A_18 = vector.shape_cast %get3A_17 : vector<1x16384xi32> to vector<16384xi32>
    %swap3A = arith.constant 0 : index
    %swap3A_19 = arith.constant 0 : index
    %swap3A_20 = vector.load %arg4[%swap3A, %swap3A_19] : memref<2x266240xi32, #tpu.memory_space<vmem>>, vector<1x262144xi32>
    %swap3A_21 = vector.shape_cast %swap3A_20 : vector<1x262144xi32> to vector<262144xi32>
    %swap3A_22 = vector.shape_cast %get3A_6 : vector<262144xi32> to vector<1x262144xi32>
    tpu.vector_store %arg4[%swap3A, %swap3A_19], %swap3A_22 {strides = array<i32>} : memref<2x266240xi32, #tpu.memory_space<vmem>>, vector<1x262144xi32>,
    %swap3A_23 = arith.constant 0 : index
    %swap3A_24 = arith.constant 262144 : index
    %swap3A_25 = vector.load %arg4[%swap3A_23, %swap3A_24] : memref<2x266240xi32, #tpu.memory_space<vmem>>, vector<1x4096xi32>
    %swap3A_26 = vector.shape_cast %swap3A_25 : vector<1x4096xi32> to vector<4096xi32>
    %swap3A_27 = vector.shape_cast %squeeze3A : vector<4096xi32> to vector<1x4096xi32>
    tpu.vector_store %arg4[%swap3A_23, %swap3A_24], %swap3A_27 {strides = array<i32>} : memref<2x266240xi32, #tpu.memory_space<vmem>>, vector<1x4096xi32>,
    %swap3A_28 = arith.constant 0 : index
    %swap3A_29 = arith.constant 0 : index
    %swap3A_30 = vector.load %arg5[%swap3A_28, %swap3A_29] : memref<2x266240xi32, #tpu.memory_space<vmem>>, vector<1x262144xi32>
    %swap3A_31 = vector.shape_cast %swap3A_30 : vector<1x262144xi32> to vector<262144xi32>
    %swap3A_32 = vector.shape_cast %get3A_10 : vector<262144xi32> to vector<1x262144xi32>
    tpu.vector_store %arg5[%swap3A_28, %swap3A_29], %swap3A_32 {strides = array<i32>} : memref<2x266240xi32, #tpu.memory_space<vmem>>, vector<1x262144xi32>,
    %swap3A_33 = arith.constant 0 : index
    %swap3A_34 = arith.constant 262144 : index
    %swap3A_35 = vector.load %arg5[%swap3A_33, %swap3A_34] : memref<2x266240xi32, #tpu.memory_space<vmem>>, vector<1x4096xi32>
    %swap3A_36 = vector.shape_cast %swap3A_35 : vector<1x4096xi32> to vector<4096xi32>
    %swap3A_37 = vector.shape_cast %squeeze3A : vector<4096xi32> to vector<1x4096xi32>
    tpu.vector_store %arg5[%swap3A_33, %swap3A_34], %swap3A_37 {strides = array<i32>} : memref<2x266240xi32, #tpu.memory_space<vmem>>, vector<1x4096xi32>,
    %swap3A_38 = arith.constant 0 : index
    %swap3A_39 = arith.constant 0 : index
    %swap3A_40 = vector.load %arg6[%swap3A_38, %swap3A_39] : memref<2x16896xi32, #tpu.memory_space<vmem>>, vector<1x16384xi32>
    %swap3A_41 = vector.shape_cast %swap3A_40 : vector<1x16384xi32> to vector<16384xi32>
    %swap3A_42 = vector.shape_cast %get3A_18 : vector<16384xi32> to vector<1x16384xi32>
    tpu.vector_store %arg6[%swap3A_38, %swap3A_39], %swap3A_42 {strides = array<i32>} : memref<2x16896xi32, #tpu.memory_space<vmem>>, vector<1x16384xi32>,
    %swap3A_43 = arith.constant 0 : index
    %swap3A_44 = arith.constant 16384 : index
    %swap3A_45 = vector.load %arg6[%swap3A_43, %swap3A_44] : memref<2x16896xi32, #tpu.memory_space<vmem>>, vector<1x512xi32>
    %swap3A_46 = vector.shape_cast %swap3A_45 : vector<1x512xi32> to vector<512xi32>
    %swap3A_47 = vector.shape_cast %squeeze3A_1 : vector<512xi32> to vector<1x512xi32>
    tpu.vector_store %arg6[%swap3A_43, %swap3A_44], %swap3A_47 {strides = array<i32>} : memref<2x16896xi32, #tpu.memory_space<vmem>>, vector<1x512xi32>,
    %swap3A_48 = arith.constant 0 : index
    %swap3A_49 = arith.constant 0 : index
    %swap3A_50 = vector.load %arg7[%swap3A_48, %swap3A_49] : memref<2x16896xi32, #tpu.memory_space<vmem>>, vector<1x16384xi32>
    %swap3A_51 = vector.shape_cast %swap3A_50 : vector<1x16384xi32> to vector<16384xi32>
    %swap3A_52 = vector.shape_cast %get3A_14 : vector<16384xi32> to vector<1x16384xi32>
    tpu.vector_store %arg7[%swap3A_48, %swap3A_49], %swap3A_52 {strides = array<i32>} : memref<2x16896xi32, #tpu.memory_space<vmem>>, vector<1x16384xi32>,
    %swap3A_53 = arith.constant 0 : index
    %swap3A_54 = arith.constant 16384 : index
    %swap3A_55 = vector.load %arg7[%swap3A_53, %swap3A_54] : memref<2x16896xi32, #tpu.memory_space<vmem>>, vector<1x512xi32>
    %swap3A_56 = vector.shape_cast %swap3A_55 : vector<1x512xi32> to vector<512xi32>
    %swap3A_57 = vector.shape_cast %squeeze3A_1 : vector<512xi32> to vector<1x512xi32>
    tpu.vector_store %arg7[%swap3A_53, %swap3A_54], %swap3A_57 {strides = array<i32>} : memref<2x16896xi32, #tpu.memory_space<vmem>>, vector<1x512xi32>,
    %swap3A_58 = arith.constant 0 : index
    %swap3A_59 = vector.load %arg8[%swap3A_58] : memref<566272xi32, #tpu.memory_space<vmem>>, vector<262144xi32>
    tpu.vector_store %arg8[%swap3A_58], %get3A_6 {strides = array<i32>} : memref<566272xi32, #tpu.memory_space<vmem>>, vector<262144xi32>,
    %swap3A_60 = arith.constant 262144 : index
    %swap3A_61 = vector.load %arg8[%swap3A_60] : memref<566272xi32, #tpu.memory_space<vmem>>, vector<4096xi32>
    tpu.vector_store %arg8[%swap3A_60], %squeeze3A {strides = array<i32>} : memref<566272xi32, #tpu.memory_space<vmem>>, vector<4096xi32>,
    %add3A_62 = arith.constant 4096 : i32
    %add3A_63 = vector.broadcast %add3A_62 : i32 to vector<16384xi32>
    %add3A_64 = arith.addi %get3A_18, %add3A_63 : vector<16384xi32>
    %swap3A_65 = arith.constant 266240 : index
    %swap3A_66 = vector.load %arg8[%swap3A_65] : memref<566272xi32, #tpu.memory_space<vmem>>, vector<16384xi32>
    tpu.vector_store %arg8[%swap3A_65], %add3A_64 {strides = array<i32>} : memref<566272xi32, #tpu.memory_space<vmem>>, vector<16384xi32>,
    %swap3A_67 = arith.constant 282624 : index
    %swap3A_68 = vector.load %arg8[%swap3A_67] : memref<566272xi32, #tpu.memory_space<vmem>>, vector<512xi32>
    tpu.vector_store %arg8[%swap3A_67], %add3A_3 {strides = array<i32>} : memref<566272xi32, #tpu.memory_space<vmem>>, vector<512xi32>,
    %swap3A_69 = arith.constant 283136 : index
    %swap3A_70 = vector.load %arg8[%swap3A_69] : memref<566272xi32, #tpu.memory_space<vmem>>, vector<262144xi32>
    tpu.vector_store %arg8[%swap3A_69], %get3A_10 {strides = array<i32>} : memref<566272xi32, #tpu.memory_space<vmem>>, vector<262144xi32>,
    %swap3A_71 = arith.constant 545280 : index
    %swap3A_72 = vector.load %arg8[%swap3A_71] : memref<566272xi32, #tpu.memory_space<vmem>>, vector<4096xi32>
    tpu.vector_store %arg8[%swap3A_71], %squeeze3A {strides = array<i32>} : memref<566272xi32, #tpu.memory_space<vmem>>, vector<4096xi32>,
    %add3A_73 = arith.constant 4096 : i32
    %add3A_74 = vector.broadcast %add3A_73 : i32 to vector<16384xi32>
    %add3A_75 = arith.addi %get3A_14, %add3A_74 : vector<16384xi32>
    %swap3A_76 = arith.constant 549376 : index
    %swap3A_77 = vector.load %arg8[%swap3A_76] : memref<566272xi32, #tpu.memory_space<vmem>>, vector<16384xi32>
    tpu.vector_store %arg8[%swap3A_76], %add3A_75 {strides = array<i32>} : memref<566272xi32, #tpu.memory_space<vmem>>, vector<16384xi32>,
    %swap3A_78 = arith.constant 565760 : index
    %swap3A_79 = vector.load %arg8[%swap3A_78] : memref<566272xi32, #tpu.memory_space<vmem>>, vector<512xi32>
    tpu.vector_store %arg8[%swap3A_78], %add3A_3 {strides = array<i32>} : memref<566272xi32, #tpu.memory_space<vmem>>, vector<512xi32>,
    %get3A_80 = arith.constant 1 : index
    %get3A_81 = arith.constant 0 : index
    %get3A_82 = vector.load %arg0[%get3A_80, %get3A_81] : memref<2x262144xi32, #tpu.memory_space<vmem>>, vector<1x262144xi32>
    %get3A_83 = vector.shape_cast %get3A_82 : vector<1x262144xi32> to vector<262144xi32>
    %get3A_84 = arith.constant 1 : index
    %get3A_85 = arith.constant 0 : index
    %get3A_86 = vector.load %arg1[%get3A_84, %get3A_85] : memref<2x262144xi32, #tpu.memory_space<vmem>>, vector<1x262144xi32>
    %get3A_87 = vector.shape_cast %get3A_86 : vector<1x262144xi32> to vector<262144xi32>
    %get3A_88 = arith.constant 1 : index
    %get3A_89 = arith.constant 0 : index
    %get3A_90 = vector.load %arg2[%get3A_88, %get3A_89] : memref<2x16384xi32, #tpu.memory_space<vmem>>, vector<1x16384xi32>
    %get3A_91 = vector.shape_cast %get3A_90 : vector<1x16384xi32> to vector<16384xi32>
    %get3A_92 = arith.constant 1 : index
    %get3A_93 = arith.constant 0 : index
    %get3A_94 = vector.load %arg3[%get3A_92, %get3A_93] : memref<2x16384xi32, #tpu.memory_space<vmem>>, vector<1x16384xi32>
    %get3A_95 = vector.shape_cast %get3A_94 : vector<1x16384xi32> to vector<16384xi32>
    %swap3A_96 = arith.constant 1 : index
    %swap3A_97 = arith.constant 0 : index
    %swap3A_98 = vector.load %arg4[%swap3A_96, %swap3A_97] : memref<2x266240xi32, #tpu.memory_space<vmem>>, vector<1x262144xi32>
    %swap3A_99 = vector.shape_cast %swap3A_98 : vector<1x262144xi32> to vector<262144xi32>
    %swap3A_100 = vector.shape_cast %get3A_83 : vector<262144xi32> to vector<1x262144xi32>
    tpu.vector_store %arg4[%swap3A_96, %swap3A_97], %swap3A_100 {strides = array<i32>} : memref<2x266240xi32, #tpu.memory_space<vmem>>, vector<1x262144xi32>,
    %swap3A_101 = arith.constant 1 : index
    %swap3A_102 = arith.constant 262144 : index
    %swap3A_103 = vector.load %arg4[%swap3A_101, %swap3A_102] : memref<2x266240xi32, #tpu.memory_space<vmem>>, vector<1x4096xi32>
    %swap3A_104 = vector.shape_cast %swap3A_103 : vector<1x4096xi32> to vector<4096xi32>
    %swap3A_105 = vector.shape_cast %squeeze3A : vector<4096xi32> to vector<1x4096xi32>
    tpu.vector_store %arg4[%swap3A_101, %swap3A_102], %swap3A_105 {strides = array<i32>} : memref<2x266240xi32, #tpu.memory_space<vmem>>, vector<1x4096xi32>,
    %swap3A_106 = arith.constant 1 : index
    %swap3A_107 = arith.constant 0 : index
    %swap3A_108 = vector.load %arg5[%swap3A_106, %swap3A_107] : memref<2x266240xi32, #tpu.memory_space<vmem>>, vector<1x262144xi32>
    %swap3A_109 = vector.shape_cast %swap3A_108 : vector<1x262144xi32> to vector<262144xi32>
    %swap3A_110 = vector.shape_cast %get3A_87 : vector<262144xi32> to vector<1x262144xi32>
    tpu.vector_store %arg5[%swap3A_106, %swap3A_107], %swap3A_110 {strides = array<i32>} : memref<2x266240xi32, #tpu.memory_space<vmem>>, vector<1x262144xi32>,
    %swap3A_111 = arith.constant 1 : index
    %swap3A_112 = arith.constant 262144 : index
    %swap3A_113 = vector.load %arg5[%swap3A_111, %swap3A_112] : memref<2x266240xi32, #tpu.memory_space<vmem>>, vector<1x4096xi32>
    %swap3A_114 = vector.shape_cast %swap3A_113 : vector<1x4096xi32> to vector<4096xi32>
    %swap3A_115 = vector.shape_cast %squeeze3A : vector<4096xi32> to vector<1x4096xi32>
    tpu.vector_store %arg5[%swap3A_111, %swap3A_112], %swap3A_115 {strides = array<i32>} : memref<2x266240xi32, #tpu.memory_space<vmem>>, vector<1x4096xi32>,
    %swap3A_116 = arith.constant 1 : index
    %swap3A_117 = arith.constant 0 : index
    %swap3A_118 = vector.load %arg6[%swap3A_116, %swap3A_117] : memref<2x16896xi32, #tpu.memory_space<vmem>>, vector<1x16384xi32>
    %swap3A_119 = vector.shape_cast %swap3A_118 : vector<1x16384xi32> to vector<16384xi32>
    %swap3A_120 = vector.shape_cast %get3A_95 : vector<16384xi32> to vector<1x16384xi32>
    tpu.vector_store %arg6[%swap3A_116, %swap3A_117], %swap3A_120 {strides = array<i32>} : memref<2x16896xi32, #tpu.memory_space<vmem>>, vector<1x16384xi32>,
    %swap3A_121 = arith.constant 1 : index
    %swap3A_122 = arith.constant 16384 : index
    %swap3A_123 = vector.load %arg6[%swap3A_121, %swap3A_122] : memref<2x16896xi32, #tpu.memory_space<vmem>>, vector<1x512xi32>
    %swap3A_124 = vector.shape_cast %swap3A_123 : vector<1x512xi32> to vector<512xi32>
    %swap3A_125 = vector.shape_cast %squeeze3A_1 : vector<512xi32> to vector<1x512xi32>
    tpu.vector_store %arg6[%swap3A_121, %swap3A_122], %swap3A_125 {strides = array<i32>} : memref<2x16896xi32, #tpu.memory_space<vmem>>, vector<1x512xi32>,
    %swap3A_126 = arith.constant 1 : index
    %swap3A_127 = arith.constant 0 : index
    %swap3A_128 = vector.load %arg7[%swap3A_126, %swap3A_127] : memref<2x16896xi32, #tpu.memory_space<vmem>>, vector<1x16384xi32>
    %swap3A_129 = vector.shape_cast %swap3A_128 : vector<1x16384xi32> to vector<16384xi32>
    %swap3A_130 = vector.shape_cast %get3A_91 : vector<16384xi32> to vector<1x16384xi32>
    tpu.vector_store %arg7[%swap3A_126, %swap3A_127], %swap3A_130 {strides = array<i32>} : memref<2x16896xi32, #tpu.memory_space<vmem>>, vector<1x16384xi32>,
    %swap3A_131 = arith.constant 1 : index
    %swap3A_132 = arith.constant 16384 : index
    %swap3A_133 = vector.load %arg7[%swap3A_131, %swap3A_132] : memref<2x16896xi32, #tpu.memory_space<vmem>>, vector<1x512xi32>
    %swap3A_134 = vector.shape_cast %swap3A_133 : vector<1x512xi32> to vector<512xi32>
    %swap3A_135 = vector.shape_cast %squeeze3A_1 : vector<512xi32> to vector<1x512xi32>
    tpu.vector_store %arg7[%swap3A_131, %swap3A_132], %swap3A_135 {strides = array<i32>} : memref<2x16896xi32, #tpu.memory_space<vmem>>, vector<1x512xi32>,
    %swap3A_136 = arith.constant 0 : index
    %swap3A_137 = vector.load %arg9[%swap3A_136] : memref<566272xi32, #tpu.memory_space<vmem>>, vector<262144xi32>
    tpu.vector_store %arg9[%swap3A_136], %get3A_83 {strides = array<i32>} : memref<566272xi32, #tpu.memory_space<vmem>>, vector<262144xi32>,
    %swap3A_138 = arith.constant 262144 : index
    %swap3A_139 = vector.load %arg9[%swap3A_138] : memref<566272xi32, #tpu.memory_space<vmem>>, vector<4096xi32>
    tpu.vector_store %arg9[%swap3A_138], %squeeze3A {strides = array<i32>} : memref<566272xi32, #tpu.memory_space<vmem>>, vector<4096xi32>,
    %add3A_140 = arith.constant 4096 : i32
    %add3A_141 = vector.broadcast %add3A_140 : i32 to vector<16384xi32>
    %add3A_142 = arith.addi %get3A_95, %add3A_141 : vector<16384xi32>
    %swap3A_143 = arith.constant 266240 : index
    %swap3A_144 = vector.load %arg9[%swap3A_143] : memref<566272xi32, #tpu.memory_space<vmem>>, vector<16384xi32>
    tpu.vector_store %arg9[%swap3A_143], %add3A_142 {strides = array<i32>} : memref<566272xi32, #tpu.memory_space<vmem>>, vector<16384xi32>,
    %swap3A_145 = arith.constant 282624 : index
    %swap3A_146 = vector.load %arg9[%swap3A_145] : memref<566272xi32, #tpu.memory_space<vmem>>, vector<512xi32>
    tpu.vector_store %arg9[%swap3A_145], %add3A_3 {strides = array<i32>} : memref<566272xi32, #tpu.memory_space<vmem>>, vector<512xi32>,
    %swap3A_147 = arith.constant 283136 : index
    %swap3A_148 = vector.load %arg9[%swap3A_147] : memref<566272xi32, #tpu.memory_space<vmem>>, vector<262144xi32>
    tpu.vector_store %arg9[%swap3A_147], %get3A_87 {strides = array<i32>} : memref<566272xi32, #tpu.memory_space<vmem>>, vector<262144xi32>,
    %swap3A_149 = arith.constant 545280 : index
    %swap3A_150 = vector.load %arg9[%swap3A_149] : memref<566272xi32, #tpu.memory_space<vmem>>, vector<4096xi32>
    tpu.vector_store %arg9[%swap3A_149], %squeeze3A {strides = array<i32>} : memref<566272xi32, #tpu.memory_space<vmem>>, vector<4096xi32>,
    %add3A_151 = arith.constant 4096 : i32
    %add3A_152 = vector.broadcast %add3A_151 : i32 to vector<16384xi32>
    %add3A_153 = arith.addi %get3A_91, %add3A_152 : vector<16384xi32>
    %swap3A_154 = arith.constant 549376 : index
    %swap3A_155 = vector.load %arg9[%swap3A_154] : memref<566272xi32, #tpu.memory_space<vmem>>, vector<16384xi32>
    tpu.vector_store %arg9[%swap3A_154], %add3A_153 {strides = array<i32>} : memref<566272xi32, #tpu.memory_space<vmem>>, vector<16384xi32>,
    %swap3A_156 = arith.constant 565760 : index
    %swap3A_157 = vector.load %arg9[%swap3A_156] : memref<566272xi32, #tpu.memory_space<vmem>>, vector<512xi32>
    tpu.vector_store %arg9[%swap3A_156], %add3A_3 {strides = array<i32>} : memref<566272xi32, #tpu.memory_space<vmem>>, vector<512xi32>,
    return
  }
}

module attributes {stable_mosaic.version = 14 : i64} {
  func.func @_prep_body(%arg0: memref<4096x512xf32, #tpu.memory_space<vmem>>, %arg1: memref<4096x512xf32, #tpu.memory_space<vmem>>, %arg2: memref<512x512xf32, #tpu.memory_space<vmem>>, %arg3: memref<512x384xf32, #tpu.memory_space<vmem>>, %arg4: memref<384x8xf32, #tpu.memory_space<vmem>>, %arg5: memref<512x384xf32, #tpu.memory_space<vmem>>, %arg6: memref<384x8xf32, #tpu.memory_space<vmem>>, %arg7: memref<512x384xf32, #tpu.memory_space<vmem>>, %arg8: memref<384x8xf32, #tpu.memory_space<vmem>>, %arg9: memref<512x384xf32, #tpu.memory_space<vmem>>, %arg10: memref<384x8xf32, #tpu.memory_space<vmem>>, %arg11: memref<512x128xf32, #tpu.memory_space<vmem>>, %arg12: memref<512x128xf32, #tpu.memory_space<vmem>>, %arg13: memref<1x128xf32, #tpu.memory_space<vmem>>, %arg14: memref<1x128xf32, #tpu.memory_space<vmem>>, %arg15: memref<1x128xf32, #tpu.memory_space<vmem>>, %arg16: memref<1x128xf32, #tpu.memory_space<vmem>>, %arg17: memref<1x128xf32, #tpu.memory_space<vmem>>, %arg18: memref<4096x128xf32, #tpu.memory_space<vmem>>, %arg19: memref<128x4096xf32, #tpu.memory_space<vmem>>, %arg20: memref<8x9216xf32, #tpu.memory_space<vmem>>) attributes {dimension_semantics = [], scalar_prefetch = 0 : i64, scratch_operands = 0 : i64, tpu.core_type = #tpu.core_type<tc>} {
    %get3A = arith.constant 0 : index
    %get3A_0 = arith.constant 0 : index
    %get3A_1 = vector.load %arg0[%get3A, %get3A_0] : memref<4096x512xf32, #tpu.memory_space<vmem>>, vector<4096x512xf32>
    %get3A_2 = arith.constant 0 : index
    %get3A_3 = arith.constant 0 : index
    %get3A_4 = vector.load %arg3[%get3A_2, %get3A_3] : memref<512x384xf32, #tpu.memory_space<vmem>>, vector<512x384xf32>
    %get3A_5 = arith.constant 0 : index
    %get3A_6 = arith.constant 0 : index
    %get3A_7 = vector.load %arg4[%get3A_5, %get3A_6] : memref<384x8xf32, #tpu.memory_space<vmem>>, vector<384x8xf32>
    %dot_general3A = arith.constant dense<0.000000e+00> : vector<512x8xf32>
    %dot_general3A_8 = tpu.matmul %get3A_4, %get3A_7, %dot_general3A {dimension_numbers = #tpu.dot_dimension_numbers<[1], [0], [0], [1], [0, 0, 1, 1], [], []>, transpose_lhs_hint = false} : vector<512x384xf32>, vector<384x8xf32>, vector<512x8xf32> -> vector<512x8xf32>
    %dot_general3A_9 = arith.constant dense<0.000000e+00> : vector<4096x8xf32>
    %dot_general3A_10 = tpu.matmul %get3A_1, %dot_general3A_8, %dot_general3A_9 {dimension_numbers = #tpu.dot_dimension_numbers<[1], [0], [0], [1], [0, 0, 1, 1], [], []>, transpose_lhs_hint = false} : vector<4096x512xf32>, vector<512x8xf32>, vector<4096x8xf32> -> vector<4096x8xf32>
    %transpose3A = tpu.transpose %dot_general3A_10, [1, 0] : vector<4096x8xf32> -> vector<8x4096xf32>
    %swap3A = arith.constant 0 : index
    %swap3A_11 = arith.constant 0 : index
    %swap3A_12 = vector.load %arg20[%swap3A, %swap3A_11] : memref<8x9216xf32, #tpu.memory_space<vmem>>, vector<8x4096xf32>
    tpu.vector_store %arg20[%swap3A, %swap3A_11], %transpose3A {strides = array<i32>} : memref<8x9216xf32, #tpu.memory_space<vmem>>, vector<8x4096xf32>,
    %get3A_13 = arith.constant 0 : index
    %get3A_14 = arith.constant 0 : index
    %get3A_15 = vector.load %arg2[%get3A_13, %get3A_14] : memref<512x512xf32, #tpu.memory_space<vmem>>, vector<512x512xf32>
    %get3A_16 = arith.constant 0 : index
    %get3A_17 = arith.constant 0 : index
    %get3A_18 = vector.load %arg7[%get3A_16, %get3A_17] : memref<512x384xf32, #tpu.memory_space<vmem>>, vector<512x384xf32>
    %get3A_19 = arith.constant 0 : index
    %get3A_20 = arith.constant 0 : index
    %get3A_21 = vector.load %arg8[%get3A_19, %get3A_20] : memref<384x8xf32, #tpu.memory_space<vmem>>, vector<384x8xf32>
    %dot_general3A_22 = arith.constant dense<0.000000e+00> : vector<512x8xf32>
    %dot_general3A_23 = tpu.matmul %get3A_18, %get3A_21, %dot_general3A_22 {dimension_numbers = #tpu.dot_dimension_numbers<[1], [0], [0], [1], [0, 0, 1, 1], [], []>, transpose_lhs_hint = false} : vector<512x384xf32>, vector<384x8xf32>, vector<512x8xf32> -> vector<512x8xf32>
    %dot_general3A_24 = arith.constant dense<0.000000e+00> : vector<512x8xf32>
    %dot_general3A_25 = tpu.matmul %get3A_15, %dot_general3A_23, %dot_general3A_24 {dimension_numbers = #tpu.dot_dimension_numbers<[1], [0], [0], [1], [0, 0, 1, 1], [], []>, transpose_lhs_hint = false} : vector<512x512xf32>, vector<512x8xf32>, vector<512x8xf32> -> vector<512x8xf32>
    %transpose3A_26 = tpu.transpose %dot_general3A_25, [1, 0] : vector<512x8xf32> -> vector<8x512xf32>
    %swap3A_27 = arith.constant 0 : index
    %swap3A_28 = arith.constant 4096 : index
    %swap3A_29 = vector.load %arg20[%swap3A_27, %swap3A_28] : memref<8x9216xf32, #tpu.memory_space<vmem>>, vector<8x512xf32>
    tpu.vector_store %arg20[%swap3A_27, %swap3A_28], %transpose3A_26 {strides = array<i32>} : memref<8x9216xf32, #tpu.memory_space<vmem>>, vector<8x512xf32>,
    %get3A_30 = arith.constant 0 : index
    %get3A_31 = arith.constant 0 : index
    %get3A_32 = vector.load %arg1[%get3A_30, %get3A_31] : memref<4096x512xf32, #tpu.memory_space<vmem>>, vector<4096x512xf32>
    %get3A_33 = arith.constant 0 : index
    %get3A_34 = arith.constant 0 : index
    %get3A_35 = vector.load %arg5[%get3A_33, %get3A_34] : memref<512x384xf32, #tpu.memory_space<vmem>>, vector<512x384xf32>
    %get3A_36 = arith.constant 0 : index
    %get3A_37 = arith.constant 0 : index
    %get3A_38 = vector.load %arg6[%get3A_36, %get3A_37] : memref<384x8xf32, #tpu.memory_space<vmem>>, vector<384x8xf32>
    %dot_general3A_39 = arith.constant dense<0.000000e+00> : vector<512x8xf32>
    %dot_general3A_40 = tpu.matmul %get3A_35, %get3A_38, %dot_general3A_39 {dimension_numbers = #tpu.dot_dimension_numbers<[1], [0], [0], [1], [0, 0, 1, 1], [], []>, transpose_lhs_hint = false} : vector<512x384xf32>, vector<384x8xf32>, vector<512x8xf32> -> vector<512x8xf32>
    %dot_general3A_41 = arith.constant dense<0.000000e+00> : vector<4096x8xf32>
    %dot_general3A_42 = tpu.matmul %get3A_32, %dot_general3A_40, %dot_general3A_41 {dimension_numbers = #tpu.dot_dimension_numbers<[1], [0], [0], [1], [0, 0, 1, 1], [], []>, transpose_lhs_hint = false} : vector<4096x512xf32>, vector<512x8xf32>, vector<4096x8xf32> -> vector<4096x8xf32>
    %transpose3A_43 = tpu.transpose %dot_general3A_42, [1, 0] : vector<4096x8xf32> -> vector<8x4096xf32>
    %swap3A_44 = arith.constant 0 : index
    %swap3A_45 = arith.constant 4608 : index
    %swap3A_46 = vector.load %arg20[%swap3A_44, %swap3A_45] : memref<8x9216xf32, #tpu.memory_space<vmem>>, vector<8x4096xf32>
    tpu.vector_store %arg20[%swap3A_44, %swap3A_45], %transpose3A_43 {strides = array<i32>} : memref<8x9216xf32, #tpu.memory_space<vmem>>, vector<8x4096xf32>,
    %get3A_47 = arith.constant 0 : index
    %get3A_48 = arith.constant 0 : index
    %get3A_49 = vector.load %arg2[%get3A_47, %get3A_48] : memref<512x512xf32, #tpu.memory_space<vmem>>, vector<512x512xf32>
    %transpose3A_50 = tpu.transpose %get3A_49, [1, 0] : vector<512x512xf32> -> vector<512x512xf32>
    %get3A_51 = arith.constant 0 : index
    %get3A_52 = arith.constant 0 : index
    %get3A_53 = vector.load %arg9[%get3A_51, %get3A_52] : memref<512x384xf32, #tpu.memory_space<vmem>>, vector<512x384xf32>
    %get3A_54 = arith.constant 0 : index
    %get3A_55 = arith.constant 0 : index
    %get3A_56 = vector.load %arg10[%get3A_54, %get3A_55] : memref<384x8xf32, #tpu.memory_space<vmem>>, vector<384x8xf32>
    %dot_general3A_57 = arith.constant dense<0.000000e+00> : vector<512x8xf32>
    %dot_general3A_58 = tpu.matmul %get3A_53, %get3A_56, %dot_general3A_57 {dimension_numbers = #tpu.dot_dimension_numbers<[1], [0], [0], [1], [0, 0, 1, 1], [], []>, transpose_lhs_hint = false} : vector<512x384xf32>, vector<384x8xf32>, vector<512x8xf32> -> vector<512x8xf32>
    %dot_general3A_59 = arith.constant dense<0.000000e+00> : vector<512x8xf32>
    %dot_general3A_60 = tpu.matmul %transpose3A_50, %dot_general3A_58, %dot_general3A_59 {dimension_numbers = #tpu.dot_dimension_numbers<[1], [0], [0], [1], [0, 0, 1, 1], [], []>, transpose_lhs_hint = false} : vector<512x512xf32>, vector<512x8xf32>, vector<512x8xf32> -> vector<512x8xf32>
    %transpose3A_61 = tpu.transpose %dot_general3A_60, [1, 0] : vector<512x8xf32> -> vector<8x512xf32>
    %swap3A_62 = arith.constant 0 : index
    %swap3A_63 = arith.constant 8704 : index
    %swap3A_64 = vector.load %arg20[%swap3A_62, %swap3A_63] : memref<8x9216xf32, #tpu.memory_space<vmem>>, vector<8x512xf32>
    tpu.vector_store %arg20[%swap3A_62, %swap3A_63], %transpose3A_61 {strides = array<i32>} : memref<8x9216xf32, #tpu.memory_space<vmem>>, vector<8x512xf32>,
    %get3A_65 = arith.constant 0 : index
    %get3A_66 = arith.constant 0 : index
    %get3A_67 = vector.load %arg13[%get3A_65, %get3A_66] : memref<1x128xf32, #tpu.memory_space<vmem>>, vector<1x128xf32>
    %get3A_68 = arith.constant 0 : index
    %get3A_69 = arith.constant 0 : index
    %get3A_70 = vector.load %arg14[%get3A_68, %get3A_69] : memref<1x128xf32, #tpu.memory_space<vmem>>, vector<1x128xf32>
    %get3A_71 = arith.constant 0 : index
    %get3A_72 = arith.constant 0 : index
    %get3A_73 = vector.load %arg16[%get3A_71, %get3A_72] : memref<1x128xf32, #tpu.memory_space<vmem>>, vector<1x128xf32>
    %sub3A = arith.subf %get3A_70, %get3A_73 : vector<1x128xf32>
    %mul3A = arith.mulf %get3A_67, %sub3A : vector<1x128xf32>
    %get3A_74 = arith.constant 0 : index
    %get3A_75 = arith.constant 0 : index
    %get3A_76 = vector.load %arg17[%get3A_74, %get3A_75] : memref<1x128xf32, #tpu.memory_space<vmem>>, vector<1x128xf32>
    %add3A = arith.addf %mul3A, %get3A_76 : vector<1x128xf32>
    %get3A_77 = arith.constant 0 : index
    %get3A_78 = arith.constant 0 : index
    %get3A_79 = vector.load %arg15[%get3A_77, %get3A_78] : memref<1x128xf32, #tpu.memory_space<vmem>>, vector<1x128xf32>
    %get3A_80 = arith.constant 0 : index
    %get3A_81 = arith.constant 0 : index
    %get3A_82 = vector.load %arg16[%get3A_80, %get3A_81] : memref<1x128xf32, #tpu.memory_space<vmem>>, vector<1x128xf32>
    %sub3A_83 = arith.subf %get3A_79, %get3A_82 : vector<1x128xf32>
    %mul3A_84 = arith.mulf %get3A_67, %sub3A_83 : vector<1x128xf32>
    %get3A_85 = arith.constant 0 : index
    %get3A_86 = arith.constant 0 : index
    %get3A_87 = vector.load %arg17[%get3A_85, %get3A_86] : memref<1x128xf32, #tpu.memory_space<vmem>>, vector<1x128xf32>
    %add3A_88 = arith.addf %mul3A_84, %get3A_87 : vector<1x128xf32>
    %get3A_89 = arith.constant 0 : index
    %get3A_90 = arith.constant 0 : index
    %get3A_91 = vector.load %arg0[%get3A_89, %get3A_90] : memref<4096x512xf32, #tpu.memory_space<vmem>>, vector<4096x512xf32>
    %get3A_92 = arith.constant 0 : index
    %get3A_93 = arith.constant 0 : index
    %get3A_94 = vector.load %arg11[%get3A_92, %get3A_93] : memref<512x128xf32, #tpu.memory_space<vmem>>, vector<512x128xf32>
    %mul3A_95 = vector.broadcast %get3A_67 : vector<1x128xf32> to vector<512x128xf32>
    %mul3A_96 = arith.mulf %get3A_94, %mul3A_95 : vector<512x128xf32>
    %dot_general3A_97 = arith.constant dense<0.000000e+00> : vector<4096x128xf32>
    %dot_general3A_98 = tpu.matmul %get3A_91, %mul3A_96, %dot_general3A_97 {dimension_numbers = #tpu.dot_dimension_numbers<[1], [0], [0], [1], [0, 0, 1, 1], [], []>, transpose_lhs_hint = false} : vector<4096x512xf32>, vector<512x128xf32>, vector<4096x128xf32> -> vector<4096x128xf32>
    %add3A_99 = vector.broadcast %add3A : vector<1x128xf32> to vector<4096x128xf32>
    %add3A_100 = arith.addf %dot_general3A_98, %add3A_99 : vector<4096x128xf32>
    %ge3A = arith.constant 0.000000e+00 : f32
    %ge3A_101 = vector.broadcast %ge3A : f32 to vector<4096x128xf32>
    %ge3A_102 = arith.cmpf oge, %add3A_100, %ge3A_101 : vector<4096x128xf32>
    %mul3A_103 = arith.constant 0.00999999977 : f32
    %mul3A_104 = vector.broadcast %mul3A_103 : f32 to vector<4096x128xf32>
    %mul3A_105 = arith.mulf %mul3A_104, %add3A_100 : vector<4096x128xf32>
    %select_n3A = arith.select %ge3A_102, %add3A_100, %mul3A_105 : vector<4096x128xi1>, vector<4096x128xf32>
    %swap3A_106 = arith.constant 0 : index
    %swap3A_107 = arith.constant 0 : index
    %swap3A_108 = vector.load %arg18[%swap3A_106, %swap3A_107] : memref<4096x128xf32, #tpu.memory_space<vmem>>, vector<4096x128xf32>
    tpu.vector_store %arg18[%swap3A_106, %swap3A_107], %select_n3A {strides = array<i32>} : memref<4096x128xf32, #tpu.memory_space<vmem>>, vector<4096x128xf32>,
    %get3A_109 = arith.constant 0 : index
    %get3A_110 = arith.constant 0 : index
    %get3A_111 = vector.load %arg1[%get3A_109, %get3A_110] : memref<4096x512xf32, #tpu.memory_space<vmem>>, vector<4096x512xf32>
    %get3A_112 = arith.constant 0 : index
    %get3A_113 = arith.constant 0 : index
    %get3A_114 = vector.load %arg12[%get3A_112, %get3A_113] : memref<512x128xf32, #tpu.memory_space<vmem>>, vector<512x128xf32>
    %mul3A_115 = vector.broadcast %get3A_67 : vector<1x128xf32> to vector<512x128xf32>
    %mul3A_116 = arith.mulf %get3A_114, %mul3A_115 : vector<512x128xf32>
    %dot_general3A_117 = arith.constant dense<0.000000e+00> : vector<4096x128xf32>
    %dot_general3A_118 = tpu.matmul %get3A_111, %mul3A_116, %dot_general3A_117 {dimension_numbers = #tpu.dot_dimension_numbers<[1], [0], [0], [1], [0, 0, 1, 1], [], []>, transpose_lhs_hint = false} : vector<4096x512xf32>, vector<512x128xf32>, vector<4096x128xf32> -> vector<4096x128xf32>
    %add3A_119 = vector.broadcast %add3A_88 : vector<1x128xf32> to vector<4096x128xf32>
    %add3A_120 = arith.addf %dot_general3A_118, %add3A_119 : vector<4096x128xf32>
    %ge3A_121 = arith.constant 0.000000e+00 : f32
    %ge3A_122 = vector.broadcast %ge3A_121 : f32 to vector<4096x128xf32>
    %ge3A_123 = arith.cmpf oge, %add3A_120, %ge3A_122 : vector<4096x128xf32>
    %mul3A_124 = arith.constant 0.00999999977 : f32
    %mul3A_125 = vector.broadcast %mul3A_124 : f32 to vector<4096x128xf32>
    %mul3A_126 = arith.mulf %mul3A_125, %add3A_120 : vector<4096x128xf32>
    %select_n3A_127 = arith.select %ge3A_123, %add3A_120, %mul3A_126 : vector<4096x128xi1>, vector<4096x128xf32>
    %transpose3A_128 = tpu.transpose %select_n3A_127, [1, 0] : vector<4096x128xf32> -> vector<128x4096xf32>
    %swap3A_129 = arith.constant 0 : index
    %swap3A_130 = arith.constant 0 : index
    %swap3A_131 = vector.load %arg19[%swap3A_129, %swap3A_130] : memref<128x4096xf32, #tpu.memory_space<vmem>>, vector<128x4096xf32>
    tpu.vector_store %arg19[%swap3A_129, %swap3A_130], %transpose3A_128 {strides = array<i32>} : memref<128x4096xf32, #tpu.memory_space<vmem>>, vector<128x4096xf32>,
    return
  }
}

</mosaic_0001>

<sc_bundles>
// kernel: kernel.6.cloned.1.call-start
scs
__scs_entry_jumppad:
0x0: {  	(pc) =	sbr.rel $0x88, $3  }
0x1: {  	(tag) =	ssettag $0x0;
	lr =	simm.s32 $0x1  }
0x2: {  	[smem:$0x3F86] =	sst lr;
	_ =	strace $0xD0000000  }
0x3: {  	_ = 	snop  }
0x4: {  	_ = 	snop  }
0x5: {  	_ = 	snop  }
0x6: {  	_ = 	snop  }
0x7: {  	_ = 	snop  }
__scs_overlays_trampoline_lowered:
0x8: {  	[smem:$0x3F95] =	sst s0  }
0x9: {  	[smem:$0x3F96] =	sst s1  }
0xa: {  	[smem:$0x3F97] =	sst s2  }
0xb: {  	[smem:$0x3F98] =	sst s3  }
0xc: {  	[smem:$0x3F99] =	sst s4  }
0xd: {  	[smem:$0x3F9A] =	sst s5  }
0xe: {  	[smem:$0x3F9B] =	sst s6  }
0xf: {  	[smem:$0x3F9C] =	sst s7  }
0x10: {  	[smem:$0x3F9D] =	sst s8  }
0x11: {  	[smem:$0x3F9E] =	sst s9;
	s0 =	simm.s32 @!p0 $0x0  }
0x12: {  	s1 =	sld [smem:$0x3F84];
	s0 =	simm.s32 @p0 $0x1  }
0x13: {  	[smem:$0x3F9F] =	sst s0;
	s0 =	simm.s32 @!p1 $0x0  }
0x14: {  	s2 =	sld [smem:$0x3F83];
	s0 =	simm.s32 @p1 $0x1  }
0x15: {  	[smem:$0x3FA0] =	sst s0;
	s0 =	simm.s32 @!p2 $0x0  }
0x16: {  	s3 =	sld [smem:$0x3FDB];
	s0 =	simm.s32 @p2 $0x1  }
0x17: {  	s4 =	simm.s32 $0x1BF5;
	[smem:$0x3FA2] =	sst s0  }
0x18: {  	s0 =	sld [smem:$0x3F85];
	_ =	swait.ge [sflag:s4], $0x0  }
0x19: {  	s7 =	sld [smem:$0x3F86]  }
0x1a: {  	s8 =	sadd.s32 $0xFFFFE003, lr  }
0x1b: {  	s9 =	sadd.s32 $0xFFFFFEF7, lr;
	s5 =	simm.s32 $0xFFFFFFFF;
	p2 =	slt.u32 s8, $0xFFFFF086  }
0x1c: {  	p1 =	slt.u32 s9, $0xF7A;
	s5 =	simm.s32 @!p2 $0x0  }
0x1d: {  	s5 =	simm.s32 @p1 $0x1;
	p0 =	seq.s32 s7, s2  }
0x1e: {  	s7 =	smul.u32 @!p0 $0xF7A, s2;
	p2 =	seq.s32 @!p0 s5, $0x0  }
0x1f: {  	s9 =	smul.u32 $0xF7A, s1;
	s8 =	simm.s32 @!p0 $0x1BF5;
	p2 =	por !p2, p0  }
0x20: {  	[sflag:s8] =	ssyncset.s32 @!p0 $0xFFFFF086;
	s6 =	sadd.s32 @!p0 s3, s7;
	s7 =	simm.s32 @!p0 $0x108  }
0x21: {  	s3 =	sadd.s32 s3, s9;
	s6 =	sadd.s32 @!p0 $0x88, s6;
	s7 =	simm.s32 @p2 $0x1082  }
0x22: {  	[simem:s7], [sflag:s8] =	dma.local @!p0 [hbm:s6], $0xF7A  }
0x23: {  	s9 =	sor.u32 $0xD0000000, s2;
	s6 =	simm.s32 $0x108;
	_ =	swait.ge @!p0 [sflag:s8], $0x0  }
0x24: {  	s3 =	sadd.s32 $0x88, s3;
	s6 =	simm.s32 @!p1 $0x1082;
	[sflag:s4] =	ssyncset.s32 $0xFFFFF086  }
0x25: {  	[simem:s6], [sflag:s4] =	dma.local [hbm:s3], $0xF7A  }
0x26: {  	[smem:$0x3F86] =	sst s1;
	(tag) =	ssettag s2;
	_ =	strace s9  }
0x27: {  	s1 =	sld [smem:$0x3F96]  }
0x28: {  	s2 =	sld [smem:$0x3F97]  }
0x29: {  	s4 =	sld [smem:$0x3F99]  }
0x2a: {  	p0 =	seq.s32 s5, $0x0;
	s5 =	sld [smem:$0x3F9A]  }
0x2b: {  	s6 =	sld [smem:$0x3F9B]  }
0x2c: {  	s7 =	sld [smem:$0x3F9C]  }
0x2d: {  	s3 =	simm.s32 $0x108;
	s8 =	sld [smem:$0x3F9D]  }
0x2e: {  	s3 =	simm.s32 @!p0 $0x1082;
	s9 =	sld [smem:$0x3F9E]  }
0x2f: {  	lr =	sadd.s32 s0, s3;
	s0 =	sld [smem:$0x3F95]  }
0x30: {  	s3 =	sld [smem:$0x3F98]  }
0x31: {  	[smem:$0x3FA1] =	sst s10  }
0x32: {  	s10 =	sld [smem:$0x3F9F];
	_ =	sdelay $0x3  }
0x33: {  	p0 =	seq.s32 s10, $0x1;
	s10 =	sld [smem:$0x3FA1];
	_ =	sdelay $0x3  }
0x34: {  	[smem:$0x3FA1] =	sst s10  }
0x35: {  	s10 =	sld [smem:$0x3FA0];
	_ =	sdelay $0x3  }
0x36: {  	p1 =	seq.s32 s10, $0x1;
	s10 =	sld [smem:$0x3FA1];
	_ =	sdelay $0x3  }
0x37: {  	[smem:$0x3FA1] =	sst s10  }
0x38: {  	s10 =	sld [smem:$0x3FA2]  }
0x39: {  	_ = 	snop;
	(pc) =	sbr.ind lr, $3  }
0x3a: {  	_ = 	snop  }
0x3b: {  	_ = 	snop  }
0x3c: {  	p2 =	seq.s32 s10, $0x1;
	s10 =	sld [smem:$0x3FA1]  }
0x3d: {  	_ =	shalt  }
0x3e: {  	_ =	shalt  }
0x3f: {  	_ =	shalt  }
0x40: {  	_ =	shalt  }
0x41: {  	_ =	shalt  }
0x42: {  	_ =	shalt  }
0x43: {  	_ =	shalt  }
0x44: {  	_ =	shalt  }
0x45: {  	_ =	shalt  }
0x46: {  	_ =	shalt  }
0x47: {  	_ =	shalt  }
0x48: {  	_ =	shalt  }
0x49: {  	_ =	shalt  }
0x4a: {  	_ =	shalt  }
0x4b: {  	_ =	shalt  }
0x4c: {  	_ =	shalt  }
0x4d: {  	_ =	shalt  }
0x4e: {  	_ =	shalt  }
0x4f: {  	_ =	shalt  }
0x50: {  	_ =	shalt  }
0x51: {  	_ =	shalt  }
0x52: {  	_ =	shalt  }
0x53: {  	_ =	shalt  }
0x54: {  	_ =	shalt  }
0x55: {  	_ =	shalt  }
0x56: {  	_ =	shalt  }
0x57: {  	_ =	shalt  }
0x58: {  	_ =	shalt  }
0x59: {  	_ =	shalt  }
0x5a: {  	_ =	shalt  }
0x5b: {  	_ =	shalt  }
0x5c: {  	_ =	shalt  }
0x5d: {  	_ =	shalt  }
0x5e: {  	_ =	shalt  }
0x5f: {  	_ =	shalt  }
0x60: {  	_ =	shalt  }
0x61: {  	_ =	shalt  }
0x62: {  	_ =	shalt  }
0x63: {  	_ =	shalt  }
0x64: {  	_ =	shalt  }
0x65: {  	_ =	shalt  }
0x66: {  	_ =	shalt  }
0x67: {  	_ =	shalt  }
0x68: {  	_ =	shalt  }
0x69: {  	_ =	shalt  }
0x6a: {  	_ =	shalt  }
0x6b: {  	_ =	shalt  }
0x6c: {  	_ =	shalt  }
0x6d: {  	_ =	shalt  }
0x6e: {  	_ =	shalt  }
0x6f: {  	_ =	shalt  }
0x70: {  	_ =	shalt  }
0x71: {  	_ =	shalt  }
0x72: {  	_ =	shalt  }
0x73: {  	_ =	shalt  }
0x74: {  	_ =	shalt  }
0x75: {  	_ =	shalt  }
0x76: {  	_ =	shalt  }
0x77: {  	_ =	shalt  }
0x78: {  	_ =	shalt  }
0x79: {  	_ =	shalt  }
0x7a: {  	_ =	shalt  }
0x7b: {  	_ =	shalt  }
0x7c: {  	_ =	shalt  }
0x7d: {  	_ =	shalt  }
0x7e: {  	_ =	shalt  }
0x7f: {  	_ =	shalt  }
0x80: {  	_ =	shalt  }
0x81: {  	_ =	shalt  }
0x82: {  	_ =	shalt  }
0x83: {  	_ =	shalt  }
0x84: {  	_ =	shalt  }
0x85: {  	_ =	shalt  }
0x86: {  	_ =	shalt  }
0x87: {  	_ =	shalt  }
.Lfunc_end0:
.L_simem_size_0:
called_computation_lowered:
.L_overlay_start_0:
0x88: {  	s2 =	sld [smem:$0x3FD9]  }
0x89: {  	s3 =	sld [smem:$0x3FFE];
	_ =	sdelay $0x1  }
0x8a: {  	s1 =	srdreg.scid  }
0x8b: {  	s0 =	sand.u32 $0x1, s1  }
0x8c: {  	s14 =	sshll.u32 s0, $0xA;
	s2 =	sadd.s32 s3, s2  }
0x8d: {  	s2 =	sadd.s32 s2, s14  }
0x8e: {  	[smem:$0x3FAD] =	sst s2  }
0x8f: {  	_ = 	snop  }
0x90: {  	s2 =	sld [smem:$0x3FD0];
	_ =	sdelay $0x2  }
0x91: {  	s15 =	simm.s32 $0xA;
	s4 =	simm.s32 $0x10  }
0x92: {  	[smem:s4], [sflag:s15] =	dma.local [hbm:s2], $0x1  }
0x93: {  	_ =	swait.eq [sflag:s15], $0x1  }
0x94: {  	[sflag:s15] =	ssyncset.done $0x0  }
0x95: {  	s16 =	sld [smem:$0x14];
	[sflag:s15] =	ssyncadd.s32 $0xFFFFFFFF  }
0x96: {  	s17 =	sld [smem:$0x16];
	(tm) =	ssettm $0x1  }
0x97: {  	s18 =	sld [smem:$0x3FFB];
	_ =	sdelay $0x3  }
0x98: {  	_ =	strace s18  }
0x99: {  	s4 =	sld [smem:$0x3FFC];
	_ =	sdelay $0x3  }
0x9a: {  	_ =	strace s4  }
0x9b: {  	s4 =	sld [smem:$0x3FFD];
	_ =	sdelay $0x3  }
0x9c: {  	_ =	strace s4  }
0x9d: {  	_ =	strace $0x8FFFFFFF  }
0x9e: {  	s19 =	sld [smem:$0x3FDB];
	_ =	sdelay $0x1  }
0x9f: {  	s5 =	simm.s32 $_scs_section_size  }
0xa0: {  	s6 =	simm.s32 $_size__tile_overlayer_lowered;
	s7 =	simm.s32 $_tile_overlayer_lowered  }
0xa1: {  	s22 =	simm.s32 $0x1BFF;
	s21 =	sshll.u32 s7, $0x1;
	s4 =	sadd.s32 s5, s19  }
0xa2: {  	s8 =	simm.s32 $0x0;
	s20 =	sshll.u32 s6, $0x1;
	s6 =	sadd.s32 s21, s4  }
0xa3: {  	[timem:s8], [sflag:s22] =	dma.local [hbm:s6], s20  }
0xa4: {  	_ =	swait.ge [sflag:s22], s20  }
0xa5: {  	s5 =	ssub.s32 $0x0, s20;
	[sflag:s22] =	ssyncset.done $0x0  }
0xa6: {  	[sflag:s22] =	ssyncadd.s32 s5;
	_ =	sdelay $0x1  }
0xa7: {  	s23 =	simm.s32 $0x1B8B  }
0xa8: {  	_ =	swait.ge [sflag:s23], $0x1  }
0xa9: {  	[sflag:s23] =	ssyncset.done $0x0  }
0xaa: {  	s25 =	simm.s32 $0x1B8E;
	s24 =	sld [smem:$0x3FFE];
	[sflag:s23] =	ssyncadd.s32 $0xFFFFFFFF  }
0xab: {  	s26 =	simm.s32 $execute0_lowered;
	[smem:$0x3FD2] =	sst s25  }
0xac: {  	s6 =	sshll.u32 s26, $0x1;
	_ =	strace $0x80000046;
	[dreg:$0x1] =	wrdreg $0xFFFFFFFF  }
0xad: {  	s28 =	simm.s32 $_size_execute0_lowered;
	s4 =	sadd.s32 s4, s6;
	[dreg:$0x0] =	wrdreg $0x0  }
0xae: {  	s6 =	sshll.u32 s28, $0x1;
	[dreg:$0x2] =	wrdreg s4  }
0xaf: {  	[dreg:$0x3] =	wrdreg s6  }
0xb0: {  	[dreg:$0x4] =	wrdreg $0xC0  }
0xb1: {  	_ =	task [dreg:s8], $0x5FFFF  }
0xb2: {  	[dreg:$0x1] =	wrdreg $0xFFFFFFFF  }
0xb3: {  	[dreg:$0x0] =	wrdreg $0x60  }
0xb4: {  	[dreg:$0x2] =	wrdreg s17  }
0xb5: {  	[dreg:$0x3] =	wrdreg s16  }
0xb6: {  	[dreg:$0x4] =	wrdreg s24  }
0xb7: {  	[dreg:$0x5] =	wrdreg $0x176000  }
0xb8: {  	[dreg:$0x6] =	wrdreg $0x1AC000  }
0xb9: {  	[dreg:$0x7] =	wrdreg $0x9  }
0xba: {  	_ =	task.clear_ibuf [dreg:s8], $0x8FFFF;
	_ =	strace $0x90000046  }
0xbb: {  	s29 =	simm.s32 $0x9;
	_ =	strace $0x80000048  }
0xbc: {  	_ =	swait.ge [sflag:s29], $0x1  }
0xbd: {  	[sflag:s29] =	ssyncadd.s32 $0xFFFFFFFF  }
0xbe: {  	_ =	strace $0x90000048  }
0xbf: {  	_ =	sfence  }
0xc0: {  	s30 =	sld [smem:$0x0];
	_ =	sdelay $0x2  }
0xc1: {  	s31 =	sshll.u32 s1, $0xD;
	s1 =	sshrl.u32 s1, $0x2  }
0xc2: {  	s3 =	sand.u32 $0x4000, s31;
	s1 =	sadd.s32 s1, s30  }
0xc3: {  	s0 =	sor.u32 s3, s0;
	s1 =	sshll.u32 s1, $0x11  }
0xc4: {  	s0 =	sor.u32 s1, s0  }
0xc5: {  	s0 =	sadd.s32 $0x8F2B, s0  }
0xc6: {  	[sflag:s0] =	ssyncadd.remote.s32 $0x1  }
0xc7: {  	_ =	sfence.sel $0xFFFF  }
0xc8: {  	[dreg:$0x0] =	wrdreg $0xFFFFFFFF;
	(pc) =	sbr.abs _section_cstart, $3  }
0xc9: {  	[dreg:$0x1] =	wrdreg $0xFFFFFFFF  }
0xca: {  	_ =	task.clear_ibuf [dreg:s8], $0x2FFFF;
	_ =	strace $0x9FFFFFFF  }
0xcb: {  	(tm) =	ssettm $0x7FFFFFFF  }
tec
execute0_lowered:
.L_overlay_start_1:
0x0: {  	(tag) =	ssettag $0x1  }
0x1: {  	s0 =	rddreg [dreg:$0x0]  }
0x2: {  	s2 =	rddreg [dreg:$0x1]  }
0x3: {  	s4 =	rddreg [dreg:$0x2];
	s1 =	srdreg.scid  }
0x4: {  	s13 =	rddreg [dreg:$0x3];
	s5 =	sand.u32 $0x1, s1  }
0x5: {  	s1 =	stileid.u32;
	s6 =	smul.u32 $0x1200, s5  }
0x6: {  	s15 =	rddreg [dreg:$0x4];
	s7 =	smul.u32 $0x4520, s1  }
0x7: {  	s3 =	simm.s32 $0x0;
	s21 =	simm.s32 $0x1;
	s8 =	smul.u32 $0xCF600, s5  }
0x8: {  	s23 =	simm.s32 $0x80;
	s24 =	simm.s32 $0x400;
	s9 =	smul.u32 $0x45200, s5  }
0x9: {  	s22 =	simm.s32 $0x17280;
	[smem:$0x7FF] =	sst s3;
	s29 =	smul.u32 $0xD800, s1  }
0xa: {  	_ =	strace $0x80000047;
	s5 =	ssub.s32 $0x2, s5;
	s30 =	smul.u32 $0x360, s1  }
0xb: {  	s31 =	smul.u32 $0xD80, s1;
	s26 =	sshrl.u32 s5, $0x1;
	s11 =	sadd.s32 s6, s4  }
0xc: {  	s25 =	sadd.s32 s7, s8;
	s7 =	sadd.s32 s7, s9;
	s19 =	ssub.s32 s5, s26  }
0xd: {  	s14 =	sadd.s32 $0xF700, s30;
	s15 =	sadd.s32 s30, s15;
	s26 =	simm.s32 $0x0  }
0xe: {  	s6 =	sshrl.u32 s25, $0x3;
	s28 =	sshrl.u32 s7, $0x3;
	s7 =	sadd.s32 $0x4010, s11  }
0xf: {  	s8 =	sadd.s32 $0x4020, s11;
	s9 =	sadd.s32 $0x4030, s11;
	s10 =	sadd.s32 $0x4040, s11  }
0x10: {  	s19 =	smax.u32 s19, $0x1;
	s25 =	simm.s32 $0x8B00;
	s4 =	sadd.s32 s6, s4  }
0x11: {  	s0 =	sadd.s32 s0, s28;
	s5 =	sadd.s32 s2, s28;
	s6 =	sadd.s32 $0x4000, s11  }
0x12: {  	s11 =	sadd.s32 $0x4050, s11;
	s2 =	simm.s32 $0x12D00;
	[dreg:$0x6] =	wrdreg s0  }
0x13: {  	s0 =	sshrl.u32 s29, $0x2;
	s16 =	sadd.s32 $0x6400, s4;
	s17 =	sadd.s32 $0xEE40, s4  }
0x14: {  	s18 =	sadd.s32 $0x17880, s4;
	s12 =	sadd.s32 s0, s13;
	s0 =	sshrl.u32 s31, $0x2  }
0x15: {  	v0 =	vimm.f32 $0.0e+00;
	s13 =	sadd.s32 s30, s13;
	s20 =	sadd.s32 $0xF710, s0;
	s0 =	simm.s32 $0xF700  }
.LBB2_1:
0x16: {  	s4 =	rddreg [dreg:$0x6]  }
0x17: {  	[tilespmem:s3], [sflag:$0x1] =	stream.linear.gather [hbm4b:s4+s3], $0x4520, $0x38;
	[tilespmem:$0x1AF60] =	vst v63  }
0x18: {  	_ =	swait.ge [sflag:s21], $0x4520  }
0x19: {  	[sflag:s21] =	ssyncset.done $0x0  }
0x1a: {  	s31 =	simm.s32 $0x4580;
	[sflag:s21] =	ssyncadd.s32 $0xFFFFBAE0  }
0x1b: {  	[tilespmem:s31], [sflag:$0x1] =	stream.linear.gather [hbm4b:s5+s3], $0x4520, $0x38;
	[tilespmem:$0x1AF60] =	vst v63  }
0x1c: {  	_ =	swait.ge [sflag:s21], $0x4520  }
0x1d: {  	[sflag:s21] =	ssyncset.done $0x0  }
0x1e: {  	[sflag:s21] =	ssyncadd.s32 $0xFFFFBAE0  }
0x1f: {  	[tilespmem:s25], [sflag:$0x1] =	stream.strided.gather [hbm4b:s6+s23], $0x1200, s24, s23, $0x38;
	[tilespmem:$0x1AF60] =	vst v63  }
0x20: {  	_ =	swait.ge [sflag:s21], $0x1200  }
0x21: {  	[sflag:s21] =	ssyncset.done $0x0  }
0x22: {  	s31 =	simm.s32 $0x9D00;
	[sflag:s21] =	ssyncadd.s32 $0xFFFFEE00  }
0x23: {  	[tilespmem:s31], [sflag:$0x1] =	stream.strided.gather [hbm4b:s7+s23], $0x1200, s24, s23, $0x38;
	[tilespmem:$0x1AF60] =	vst v63  }
0x24: {  	_ =	swait.ge [sflag:s21], $0x1200  }
0x25: {  	[sflag:s21] =	ssyncset.done $0x0  }
0x26: {  	s31 =	simm.s32 $0xAF00;
	[sflag:s21] =	ssyncadd.s32 $0xFFFFEE00  }
0x27: {  	[tilespmem:s31], [sflag:$0x1] =	stream.strided.gather [hbm4b:s8+s23], $0x1200, s24, s23, $0x38;
	[tilespmem:$0x1AF60] =	vst v63  }
0x28: {  	_ =	swait.ge [sflag:s21], $0x1200  }
0x29: {  	[sflag:s21] =	ssyncset.done $0x0  }
0x2a: {  	s31 =	simm.s32 $0xC100;
	[sflag:s21] =	ssyncadd.s32 $0xFFFFEE00  }
0x2b: {  	[tilespmem:s31], [sflag:$0x1] =	stream.strided.gather [hbm4b:s9+s23], $0x1200, s24, s23, $0x38;
	[tilespmem:$0x1AF60] =	vst v63  }
0x2c: {  	_ =	swait.ge [sflag:s21], $0x1200  }
0x2d: {  	[sflag:s21] =	ssyncset.done $0x0  }
0x2e: {  	s31 =	simm.s32 $0xD300;
	[sflag:s21] =	ssyncadd.s32 $0xFFFFEE00  }
0x2f: {  	[tilespmem:s31], [sflag:$0x1] =	stream.strided.gather [hbm4b:s10+s23], $0x1200, s24, s23, $0x38;
	[tilespmem:$0x1AF60] =	vst v63  }
0x30: {  	_ =	swait.ge [sflag:s21], $0x1200  }
0x31: {  	[sflag:s21] =	ssyncset.done $0x0  }
0x32: {  	s31 =	simm.s32 $0xE500;
	[sflag:s21] =	ssyncadd.s32 $0xFFFFEE00  }
0x33: {  	[tilespmem:s31], [sflag:$0x1] =	stream.strided.gather [hbm4b:s11+s23], $0x1200, s24, s23, $0x38;
	[tilespmem:$0x1AF60] =	vst v63  }
0x34: {  	_ =	swait.ge [sflag:s21], $0x1200  }
0x35: {  	[sflag:s21] =	ssyncset.done $0x0  }
0x36: {  	s28 =	simm.s32 $0xF720;
	[sflag:s21] =	ssyncadd.s32 $0xFFFFEE00  }
0x37: {  	[tilespmem:s28+$0xFFFFFFE0] =	vst v0  }
0x38: {  	[tilespmem:s28+$0x10] =	vst v0  }
0x39: {  	s30 =	simm.s32 $0x0;
	s29 =	simm.s32 $0x4590;
	s4 =	simm.s32 $0x10;
	[tilespmem:s28+$0x0] =	vst v0  }
.LBB2_2:
0x3a: {  	s30 =	sadd.s32 $0x4, s30  }
0x3b: {  	[tilespmem:s28+$0xFFFFFFF0] =	vst v0;
	s28 =	sadd.s32 $0x40, s28;
	p0 =	slt.u32 s30, $0x35C  }
.Ltmp0:
0x3c: {  	[tilespmem:s28+$0xFFFFFFE0] =	vst v0;
	(pc) =	sbr.rel @p0 .LBB2_2-.Ltmp0, $3  }
0x3d: {  	_ =	sdelay $0x1  }
0x3e: {  	[tilespmem:s28+$0x10] =	vst v0  }
0x3f: {  	[tilespmem:s28+$0x0] =	vst v0  }
0x40: {  	[tilespmem:s28+$0xFFFFFFF0] =	vst v0  }
0x41: {  	v2 =	vld [tilespmem:s29+$0x0]  }
0x42: {  	v4 =	vld [tilespmem:s4+$0x0];
	_ =	sdelay $0x3  }
0x43: {  	v1 =	vadd.s32 $0x3600, v2;
	_ =	sdelay $0x3  }
0x44: {  	v3 =	vld.idx.msk [tilespmem:v4+s25+$0x0], $0xffff  }
0x45: {  	v1 =	vld.idx.msk [tilespmem:v1+s25+$0x0], $0xffff  }
0x46: {  	v5 =	vld [tilespmem:s29+$0xFFFFFFF0];
	_ =	sdelay $0x2  }
0x47: {  	v7 =	vld [tilespmem:s4+$0xFFFFFFF0]  }
0x48: {  	v1 =	vadd.f32 v1, v3  }
0x49: {  	v6 =	vadd.s32 $0x3600, v5  }
0x4a: {  	v3 =	vmul.f32 $2.000000030e-01, v1  }
0x4b: {  	s31 =	simm.s32 $0x45B0;
	vm0 =	vge.f32 v1, $0.0e+00  }
0x4c: {  	s28 =	simm.s32 $0x30;
	v13 =	vld [tilespmem:s31+$0x0];
	v1 =	vsel vm0, v1, v3  }
0x4d: {  	v8 =	vld [tilespmem:s28+$0x0];
	v1 =	vmul.f32 $1.442695020e+00, v1  }
0x4e: {  	v3 =	vld.idx.msk [tilespmem:v6+s25+$0x0], $0xffff  }
0x4f: {  	(erf) = vpow2.f32 v1;
	v1 =	vld.idx.msk [tilespmem:v7+s25+$0x0], $0xffff;
	_ =	sdelay $0x2  }
0x50: {  	v6 =	vadd.s32 $0x3600, v13  }
0x51: {  	v17 =	vmul.u32 $0x3, v2  }
0x52: {  	v1 =	vadd.f32 v3, v1  }
0x53: {  	v10 =	vld [tilespmem:s31+$0xFFFFFFF0];
	v3 =	vadd.s32 $0x1200, v4  }
0x54: {  	v9 =	vadd.s32 $0x4800, v2;
	v14 =	vld.idx.msk [tilespmem:v8+s25+$0x0], $0xffff;
	v12 =	vmul.f32 $2.000000030e-01, v1  }
0x55: {  	v6 =	vld.idx.msk [tilespmem:v6+s25+$0x0], $0xffff;
	vm4 =	vge.f32 v1, $0.0e+00  }
0x56: {  	v11 =	vld [tilespmem:s28+$0xFFFFFFF0];
	v15 =	vpop (erf);
	v1 =	vsel vm4, v1, v12  }
0x57: {  	[tilespmem:v17+s0+$0x0] =	vst.idx.add.f32.msk $0xffff, v15;
	v1 =	vmul.f32 $1.442695020e+00, v1  }
0x58: {  	v3 =	vld.idx.msk [tilespmem:v3+s25+$0x0], $0xffff  }
0x59: {  	v9 =	vld.idx.msk [tilespmem:v9+s25+$0x0], $0xffff;
	(erf) = vpow2.f32 v1  }
0x5a: {  	v12 =	vadd.s32 $0x3600, v10;
	v1 =	vadd.f32 v6, v14;
	_ =	sdelay $0x1  }
0x5b: {  	v6 =	vmul.f32 $2.000000030e-01, v1  }
0x5c: {  	v14 =	vmul.u32 $0x3, v5;
	vm5 =	vge.f32 v1, $0.0e+00  }
0x5d: {  	v16 =	vld.idx.msk [tilespmem:v11+s25+$0x0], $0xffff;
	v9 =	vadd.f32 v9, v3;
	v1 =	vsel vm5, v1, v6  }
0x5e: {  	s31 =	simm.s32 $0x45D0;
	v15 =	vadd.s32 $0x1200, v7;
	v12 =	vld.idx.msk [tilespmem:v12+s25+$0x0], $0xffff;
	v1 =	vmul.f32 $1.442695020e+00, v1  }
0x5f: {  	s28 =	simm.s32 $0x50;
	v19 =	vadd.s32 $0x4800, v5;
	v3 =	vld [tilespmem:s31+$0x0];
	v18 =	vmul.f32 $2.000000030e-01, v9  }
0x60: {  	v6 =	vld [tilespmem:s28+$0x0];
	vm6 =	vge.f32 v9, $0.0e+00;
	(erf) = vpow2.f32 v1  }
0x61: {  	v1 =	vsel vm6, v9, v18;
	v9 =	vpop (erf)  }
0x62: {  	v1 =	vmul.f32 $1.442695020e+00, v1;
	[tilespmem:v14+s0+$0x0] =	vst.idx.add.f32.msk $0xffff, v9  }
0x63: {  	v9 =	vadd.f32 v12, v16;
	v12 =	vld.idx.msk [tilespmem:v15+s25+$0x0], $0xffff  }
0x64: {  	(erf) = vpow2.f32 v1;
	v15 =	vadd.s32 $0x3600, v3;
	v1 =	vmul.u32 $0x3, v13;
	v16 =	vld.idx.msk [tilespmem:v19+s25+$0x0], $0xffff  }
0x65: {  	v18 =	vmul.f32 $2.000000030e-01, v9  }
0x66: {  	v23 =	vld [tilespmem:s28+$0xFFFFFFF0];
	v20 =	vadd.s32 $0x1200, v8;
	vm7 =	vge.f32 v9, $0.0e+00  }
0x67: {  	v19 =	vld [tilespmem:s31+$0xFFFFFFF0];
	v9 =	vsel vm7, v9, v18;
	v18 =	vadd.s32 $0x4800, v13  }
0x68: {  	v21 =	vld.idx.msk [tilespmem:v6+s25+$0x0], $0xffff;
	v9 =	vmul.f32 $1.442695020e+00, v9  }
0x69: {  	v22 =	vadd.s32 $0x1, v17;
	v15 =	vld.idx.msk [tilespmem:v15+s25+$0x0], $0xffff;
	v24 =	vpop (erf);
	v12 =	vadd.f32 v16, v12  }
0x6a: {  	v4 =	vadd.s32 $0x2400, v4;
	[tilespmem:v1+s0+$0x0] =	vst.idx.add.f32.msk $0xffff, v24;
	(erf) = vpow2.f32 v9  }
0x6b: {  	v2 =	vadd.s32 $0x5A00, v2;
	v9 =	vld.idx.msk [tilespmem:v20+s25+$0x0], $0xffff;
	v16 =	vmul.f32 $2.000000030e-01, v12  }
0x6c: {  	vm8 =	vge.f32 v12, $0.0e+00;
	v18 =	vld.idx.msk [tilespmem:v18+s25+$0x0], $0xffff  }
0x6d: {  	v20 =	vadd.s32 $0x3600, v19;
	v24 =	vpop (erf);
	v12 =	vsel vm8, v12, v16  }
0x6e: {  	[tilespmem:v22+s0+$0x0] =	vst.idx.add.f32.msk $0xffff, v24;
	v22 =	vmul.u32 $0x3, v10;
	v15 =	vadd.f32 v15, v21;
	v12 =	vmul.f32 $1.442695020e+00, v12  }
0x6f: {  	v4 =	vld.idx.msk [tilespmem:v4+s25+$0x0], $0xffff  }
0x70: {  	v25 =	vadd.s32 $0x5A00, v5;
	v16 =	vld.idx.msk [tilespmem:v2+s25+$0x0], $0xffff;
	v24 =	vmul.f32 $2.000000030e-01, v15;
	(erf) = vpow2.f32 v12  }
0x71: {  	v27 =	vadd.s32 $0x4800, v10;
	v5 =	vld.idx.msk [tilespmem:v23+s25+$0x0], $0xffff;
	vm9 =	vge.f32 v15, $0.0e+00;
	v18 =	vadd.f32 v18, v9  }
0x72: {  	v35 =	vadd.s32 $0x2400, v8;
	s31 =	simm.s32 $0x45F0;
	v12 =	vadd.s32 $0x2400, v7;
	v20 =	vld.idx.msk [tilespmem:v20+s25+$0x0], $0xffff;
	v7 =	vsel vm9, v15, v24  }
0x73: {  	v24 =	vadd.s32 $0x1200, v11;
	v9 =	vpop (erf);
	v15 =	vmul.f32 $1.442695020e+00, v7;
	v26 =	vmul.f32 $2.000000030e-01, v18;
	v7 =	vld [tilespmem:s31+$0x0]  }
0x74: {  	v37 =	vadd.s32 $0x2, v17;
	s28 =	simm.s32 $0x70;
	v21 =	vadd.s32 $0x1, v14;
	vm10 =	vge.f32 v18, $0.0e+00;
	[tilespmem:v22+s0+$0x0] =	vst.idx.add.f32.msk $0xffff, v9  }
0x75: {  	v4 =	vadd.f32 v16, v4;
	v9 =	vld [tilespmem:s28+$0x0];
	(erf) = vpow2.f32 v15;
	v16 =	vsel vm10, v18, v26  }
0x76: {  	v28 =	vld [tilespmem:s28+$0xFFFFFFF0];
	v33 =	vadd.s32 $0x1, v1;
	v15 =	vadd.s32 $0x2400, v11;
	v11 =	vmul.f32 $1.442695020e+00, v16  }
0x77: {  	v18 =	vld [tilespmem:s31+$0xFFFFFFF0];
	v26 =	vmul.f32 $2.000000030e-01, v4;
	v16 =	vadd.s32 $0x5A00, v10;
	v10 =	vadd.f32 v20, v5  }
0x78: {  	vm11 =	vge.f32 v4, $0.0e+00;
	v5 =	vmul.u32 $0x3, v3;
	v24 =	vld.idx.msk [tilespmem:v24+s25+$0x0], $0xffff;
	(erf) = vpow2.f32 v11  }
0x79: {  	v4 =	vsel vm11, v4, v26;
	v20 =	vadd.s32 $0x3600, v7;
	v26 =	vld.idx.msk [tilespmem:v27+s25+$0x0], $0xffff;
	v29 =	vmul.f32 $2.000000030e-01, v10;
	v27 =	vpop (erf)  }
0x7a: {  	v13 =	vadd.s32 $0x5A00, v13;
	vm12 =	vge.f32 v10, $0.0e+00;
	v11 =	vmul.f32 $1.442695020e+00, v4;
	[tilespmem:v21+s0+$0x0] =	vst.idx.add.f32.msk $0xffff, v27  }
0x7b: {  	v32 =	vmul.u32 $0x3, v19;
	v27 =	vadd.s32 $0x1200, v6;
	v10 =	vsel vm12, v10, v29;
	v30 =	vld.idx.msk [tilespmem:v12+s25+$0x0], $0xffff  }
0x7c: {  	v29 =	vadd.s32 $0x4800, v3;
	(erf) = vpow2.f32 v11;
	v25 =	vld.idx.msk [tilespmem:v25+s25+$0x0], $0xffff;
	v12 =	vmul.f32 $1.442695020e+00, v10  }
0x7d: {  	v8 =	vadd.s32 $0x2, v32;
	v2 =	vadd.s32 $0x2, v14;
	v14 =	vadd.s32 $0x1, v22;
	v31 =	vld.idx.msk [tilespmem:v9+s25+$0x0], $0xffff  }
0x7e: {  	v4 =	vadd.s32 $0x2, v22;
	v34 =	vld.idx.msk [tilespmem:v20+s25+$0x0], $0xffff;
	v26 =	vadd.f32 v26, v24;
	v20 =	vpop (erf);
	(erf) = vpow2.f32 v12  }
0x7f: {  	v22 =	vadd.s32 $0x4800, v19;
	v21 =	vadd.s32 $0x1200, v23;
	v38 =	vadd.s32 $0x3600, v18;
	[tilespmem:v5+s0+$0x0] =	vst.idx.add.f32.msk $0xffff, v20  }
0x80: {  	v10 =	vadd.s32 $0x1, v32;
	v11 =	vadd.s32 $0x2400, v23;
	v36 =	vld.idx.msk [tilespmem:v27+s25+$0x0], $0xffff;
	v27 =	vmul.f32 $2.000000030e-01, v26  }
0x81: {  	v23 =	vadd.s32 $0x4800, v18;
	v12 =	vadd.s32 $0x5A00, v19;
	vm13 =	vge.f32 v26, $0.0e+00;
	v29 =	vld.idx.msk [tilespmem:v29+s25+$0x0], $0xffff;
	v19 =	vpop (erf)  }
0x82: {  	v24 =	vadd.s32 $0x1200, v28;
	v30 =	vadd.f32 v25, v30;
	[tilespmem:v33+s0+$0x0] =	vst.idx.add.f32.msk $0xffff, v19;
	v26 =	vsel vm13, v26, v27  }
0x83: {  	v20 =	vmul.u32 $0x3, v18;
	v31 =	vadd.f32 v34, v31;
	v25 =	vld.idx.msk [tilespmem:v35+s25+$0x0], $0xffff;
	v61 =	vmul.f32 $1.442695020e+00, v26  }
0x84: {  	v18 =	vadd.s32 $0x5A00, v18;
	v19 =	vadd.s32 $0x2400, v28;
	v27 =	vld.idx.msk [tilespmem:v13+s25+$0x0], $0xffff;
	v13 =	vmul.f32 $2.000000030e-01, v30  }
0x85: {  	vm14 =	vge.f32 v30, $0.0e+00;
	v28 =	vld.idx.msk [tilespmem:v28+s25+$0x0], $0xffff;
	v60 =	vpop (erf);
	v62 =	vmul.f32 $2.000000030e-01, v31;
	(erf) = vpow2.f32 v61  }
0x86: {  	v26 =	vld.idx.msk [tilespmem:v38+s25+$0x0], $0xffff;
	vm15 =	vge.f32 v31, $0.0e+00;
	v13 =	vsel vm14, v30, v13;
	v29 =	vadd.f32 v29, v36  }
0x87: {  	v17 =	vadd.s32 $0x1, v20;
	[tilespmem:v37+s0+$0x0] =	vst.idx.add.f32.msk $0xffff, v60;
	v30 =	vmul.f32 $1.442695020e+00, v13;
	v31 =	vsel vm15, v31, v62;
	v63 =	vpop (erf)  }
0x88: {  	s30 =	simm.s32 $0x4610;
	s29 =	simm.s32 $0x6;
	v13 =	vadd.s32 $0x2, v20;
	v31 =	vmul.f32 $1.442695020e+00, v31;
	[tilespmem:v32+s0+$0x0] =	vst.idx.add.f32.msk $0xffff, v63;
	v32 =	vmul.f32 $2.000000030e-01, v29  }
.LBB2_4:
0x89: {  	v33 =	vld [tilespmem:s30+$0x0];
	s28 =	sadd.s32 $0x20, s28;
	vm0 =	vge.f32 v29, $0.0e+00;
	v25 =	vadd.f32 v27, v25;
	(erf) = vpow2.f32 v30  }
0x8a: {  	v27 =	vld [tilespmem:s28+$0x0];
	(erf) = vpow2.f32 v31;
	v29 =	vsel vm0, v29, v32  }
0x8b: {  	s29 =	sadd.s32 $0x2, s29;
	v30 =	vld [tilespmem:s30+$0xFFFFFFF0];
	v29 =	vmul.f32 $1.442695020e+00, v29;
	v31 =	vmul.f32 $2.000000030e-01, v25  }
0x8c: {  	p0 =	slt.u32 s29, $0x450;
	v26 =	vadd.f32 v26, v28;
	vm0 =	vge.f32 v25, $0.0e+00;
	v32 =	vld [tilespmem:s28+$0xFFFFFFF0]  }
0x8d: {  	v28 =	vld.idx.msk [tilespmem:v21+s25+$0x0], $0xffff;
	(erf) = vpow2.f32 v29;
	v25 =	vsel vm0, v25, v31;
	v21 =	vmov v24  }
0x8e: {  	v31 =	vmul.u32 $0x3, v7;
	v29 =	vadd.s32 $0x3600, v33;
	v34 =	vld.idx.msk [tilespmem:v22+s25+$0x0], $0xffff;
	v24 =	vmul.f32 $1.442695020e+00, v25;
	v22 =	vpop (erf)  }
0x8f: {  	vm0 =	vge.f32 v26, $0.0e+00;
	v25 =	vmul.f32 $2.000000030e-01, v26;
	[tilespmem:v14+s0+$0x0] =	vst.idx.add.f32.msk $0xffff, v22;
	v22 =	vmovc v23;
	v14 =	vmovc v10;
	v10 =	vmov v17  }
0x90: {  	v36 =	vadd.s32 $0x1200, v9;
	v35 =	vadd.s32 $0x3600, v30;
	v37 =	vld.idx.msk [tilespmem:v15+s25+$0x0], $0xffff;
	(erf) = vpow2.f32 v24;
	v15 =	vmovc v11;
	v11 =	vmovc v19  }
0x91: {  	v38 =	vmul.u32 $0x3, v30;
	v17 =	vsel vm0, v26, v25;
	v25 =	vadd.s32 $0x4800, v7;
	v26 =	vld.idx.msk [tilespmem:v16+s25+$0x0], $0xffff;
	v16 =	vmovc v12;
	v12 =	vmovc v18  }
0x92: {  	v40 =	vadd.s32 $0x1, v5;
	v24 =	vadd.s32 $0x1200, v32;
	v18 =	vmul.f32 $1.442695020e+00, v17;
	v39 =	vld.idx.msk [tilespmem:v27+s25+$0x0], $0xffff;
	v41 =	vpop (erf)  }
0x93: {  	v42 =	vadd.s32 $0x2400, v6;
	v23 =	vadd.s32 $0x4800, v30;
	v17 =	vadd.s32 $0x1, v38;
	v29 =	vld.idx.msk [tilespmem:v29+s25+$0x0], $0xffff;
	v19 =	vpop (erf)  }
0x94: {  	v28 =	vadd.f32 v34, v28;
	v34 =	vadd.s32 $0x5A00, v3;
	v3 =	vmovc v7;
	[tilespmem:v31+s0+$0x0] =	vst.idx.add.f32.msk $0xffff, v19;
	(erf) = vpow2.f32 v18  }
0x95: {  	v6 =	vmovc v9;
	v7 =	vmovc v33;
	v19 =	vadd.s32 $0x2400, v32;
	v18 =	vadd.s32 $0x5A00, v30;
	v30 =	vld.idx.msk [tilespmem:v36+s25+$0x0], $0xffff;
	v36 =	vadd.s32 $0x2, v1  }
0x96: {  	v33 =	vadd.s32 $0x2, v38;
	vm0 =	vge.f32 v28, $0.0e+00;
	v43 =	vld.idx.msk [tilespmem:v25+s25+$0x0], $0xffff;
	v25 =	vmul.f32 $2.000000030e-01, v28;
	v1 =	vpop (erf)  }
0x97: {  	v9 =	vmovc v27;
	v37 =	vadd.f32 v26, v37;
	[tilespmem:v40+s0+$0x0] =	vst.idx.add.f32.msk $0xffff, v1;
	v1 =	vmov v5;
	v5 =	vmov v31  }
0x98: {  	v40 =	vsel vm0, v28, v25;
	v25 =	vld.idx.msk [tilespmem:v42+s25+$0x0], $0xffff  }
0x99: {  	v31 =	vadd.f32 v29, v39;
	v29 =	vmul.f32 $2.000000030e-01, v37;
	v28 =	vmul.f32 $1.442695020e+00, v40;
	v27 =	vld.idx.msk [tilespmem:v34+s25+$0x0], $0xffff;
	v26 =	vpop (erf)  }
.Ltmp1:
0x9a: {  	vm0 =	vge.f32 v37, $0.0e+00;
	[tilespmem:v36+s0+$0x0] =	vst.idx.add.f32.msk $0xffff, v26;
	(pc) =	sbr.rel @p0 .LBB2_4-.Ltmp1, $4  }
0x9b: {  	v34 =	vmul.f32 $2.000000030e-01, v31;
	v26 =	vld.idx.msk [tilespmem:v35+s25+$0x0], $0xffff;
	(erf) = vpow2.f32 v28;
	v35 =	vsel vm0, v37, v29  }
0x9c: {  	vm0 =	vge.f32 v31, $0.0e+00;
	v29 =	vadd.f32 v43, v30;
	v28 =	vld.idx.msk [tilespmem:v32+s25+$0x0], $0xffff;
	v30 =	vmul.f32 $1.442695020e+00, v35  }
0x9d: {  	v31 =	vsel vm0, v31, v34;
	v32 =	vpop (erf);
	[tilespmem:v2+s0+$0x0] =	vst.idx.add.f32.msk $0xffff, v41;
	v2 =	vmov v4;
	v4 =	vmov v8  }
0x9e: {  	s30 =	sadd.s32 $0x20, s30;
	v31 =	vmul.f32 $1.442695020e+00, v31;
	v8 =	vmovc v13;
	v13 =	vmovc v33;
	[tilespmem:v20+s0+$0x0] =	vst.idx.add.f32.msk $0xffff, v32;
	v32 =	vmul.f32 $2.000000030e-01, v29;
	v20 =	vmov v38  }
0x9f: {  	_ = 	snop  }
0xa0: {  	v25 =	vadd.f32 v27, v25  }
0xa1: {  	vm0 =	vge.f32 v29, $0.0e+00;
	(erf) = vpow2.f32 v30;
	v26 =	vadd.f32 v26, v28  }
0xa2: {  	(erf) = vpow2.f32 v31;
	v60 =	vsel vm0, v29, v32;
	v61 =	vmul.f32 $2.000000030e-01, v25  }
0xa3: {  	v27 =	vmul.f32 $1.442695020e+00, v60;
	vm6 =	vge.f32 v25, $0.0e+00;
	v62 =	vmul.f32 $2.000000030e-01, v26  }
0xa4: {  	v25 =	vsel vm6, v25, v61;
	vm7 =	vge.f32 v26, $0.0e+00  }
0xa5: {  	(erf) = vpow2.f32 v27;
	v25 =	vmul.f32 $1.442695020e+00, v25;
	v26 =	vsel vm7, v26, v62  }
0xa6: {  	v27 =	vmul.u32 $0x3, v7;
	v26 =	vmul.f32 $1.442695020e+00, v26  }
0xa7: {  	v21 =	vld.idx.msk [tilespmem:v21+s25+$0x0], $0xffff;
	(erf) = vpow2.f32 v25  }
0xa8: {  	v22 =	vld.idx.msk [tilespmem:v22+s25+$0x0], $0xffff;
	v32 =	vadd.s32 $0x1200, v9;
	v63 =	vpop (erf);
	(erf) = vpow2.f32 v26  }
0xa9: {  	v33 =	vadd.s32 $0x4800, v7;
	[tilespmem:v14+s0+$0x0] =	vst.idx.add.f32.msk $0xffff, v63  }
0xaa: {  	v34 =	vadd.s32 $0x1, v5;
	v15 =	vld.idx.msk [tilespmem:v15+s25+$0x0], $0xffff;
	v35 =	vpop (erf)  }
0xab: {  	v6 =	vadd.s32 $0x2400, v6;
	v16 =	vld.idx.msk [tilespmem:v16+s25+$0x0], $0xffff;
	v36 =	vpop (erf)  }
0xac: {  	v3 =	vadd.s32 $0x5A00, v3;
	[tilespmem:v27+s0+$0x0] =	vst.idx.add.f32.msk $0xffff, v36  }
0xad: {  	v28 =	vld.idx.msk [tilespmem:v32+s25+$0x0], $0xffff  }
0xae: {  	v14 =	vld.idx.msk [tilespmem:v33+s25+$0x0], $0xffff;
	v37 =	vpop (erf)  }
0xaf: {  	[tilespmem:v34+s0+$0x0] =	vst.idx.add.f32.msk $0xffff, v37  }
0xb0: {  	v6 =	vld.idx.msk [tilespmem:v6+s25+$0x0], $0xffff;
	v38 =	vpop (erf)  }
0xb1: {  	v3 =	vld.idx.msk [tilespmem:v3+s25+$0x0], $0xffff;
	v39 =	vpop (erf)  }
0xb2: {  	v21 =	vadd.f32 v22, v21;
	[tilespmem:v20+s0+$0x0] =	vst.idx.add.f32.msk $0xffff, v39  }
0xb3: {  	v22 =	vld.idx.msk [tilespmem:v24+s25+$0x0], $0xffff  }
0xb4: {  	v40 =	vmul.f32 $2.000000030e-01, v21;
	v15 =	vadd.f32 v16, v15;
	v23 =	vld.idx.msk [tilespmem:v23+s25+$0x0], $0xffff  }
0xb5: {  	vm8 =	vge.f32 v21, $0.0e+00  }
0xb6: {  	v41 =	vsel vm8, v21, v40;
	v42 =	vmul.f32 $2.000000030e-01, v15;
	v14 =	vadd.f32 v14, v28  }
0xb7: {  	v16 =	vmul.f32 $1.442695020e+00, v41;
	vm9 =	vge.f32 v15, $0.0e+00  }
0xb8: {  	v44 =	vsel vm9, v15, v42;
	v43 =	vmul.f32 $2.000000030e-01, v14;
	v3 =	vadd.f32 v3, v6  }
0xb9: {  	(erf) = vpow2.f32 v16;
	vm10 =	vge.f32 v14, $0.0e+00;
	v45 =	vadd.f32 v23, v22  }
0xba: {  	v6 =	vmul.f32 $1.442695020e+00, v44;
	v14 =	vsel vm10, v14, v43;
	v46 =	vmul.f32 $2.000000030e-01, v3  }
0xbb: {  	v14 =	vmul.f32 $1.442695020e+00, v14;
	vm11 =	vge.f32 v3, $0.0e+00;
	v47 =	vmul.f32 $2.000000030e-01, v45  }
0xbc: {  	(erf) = vpow2.f32 v6;
	v3 =	vsel vm11, v3, v46;
	vm12 =	vge.f32 v45, $0.0e+00  }
0xbd: {  	(erf) = vpow2.f32 v14;
	v3 =	vmul.f32 $1.442695020e+00, v3;
	v48 =	vsel vm12, v45, v47  }
0xbe: {  	v6 =	vmul.f32 $1.442695020e+00, v48  }
0xbf: {  	(erf) = vpow2.f32 v3  }
0xc0: {  	(erf) = vpow2.f32 v6;
	_ =	sdelay $0x1  }
0xc1: {  	v3 =	vadd.s32 $0x1, v27  }
0xc2: {  	v50 =	vadd.s32 $0x2400, v9;
	v49 =	vpop (erf)  }
0xc3: {  	v51 =	vadd.s32 $0x5A00, v7;
	[tilespmem:v10+s0+$0x0] =	vst.idx.add.f32.msk $0xffff, v49  }
0xc4: {  	v52 =	vld.idx.msk [tilespmem:v11+s25+$0x0], $0xffff;
	v53 =	vpop (erf)  }
0xc5: {  	v54 =	vld.idx.msk [tilespmem:v12+s25+$0x0], $0xffff;
	v55 =	vpop (erf)  }
0xc6: {  	[tilespmem:v3+s0+$0x0] =	vst.idx.add.f32.msk $0xffff, v55  }
0xc7: {  	v3 =	vld.idx.msk [tilespmem:v50+s25+$0x0], $0xffff;
	v56 =	vpop (erf)  }
0xc8: {  	v6 =	vld.idx.msk [tilespmem:v51+s25+$0x0], $0xffff;
	v57 =	vpop (erf)  }
0xc9: {  	[tilespmem:v17+s0+$0x0] =	vst.idx.add.f32.msk $0xffff, v57  }
0xca: {  	v12 =	vld.idx.msk [tilespmem:v19+s25+$0x0], $0xffff  }
0xcb: {  	v58 =	vld.idx.msk [tilespmem:v18+s25+$0x0], $0xffff;
	_ =	sdelay $0x1  }
0xcc: {  	v7 =	vadd.f32 v54, v52  }
0xcd: {  	v3 =	vadd.f32 v6, v3  }
0xce: {  	v59 =	vmul.f32 $2.000000030e-01, v7  }
0xcf: {  	vm13 =	vge.f32 v7, $0.0e+00;
	v60 =	vmul.f32 $2.000000030e-01, v3;
	v12 =	vadd.f32 v58, v12  }
0xd0: {  	v6 =	vsel vm13, v7, v59;
	vm14 =	vge.f32 v3, $0.0e+00  }
0xd1: {  	v6 =	vmul.f32 $1.442695020e+00, v6;
	v3 =	vsel vm14, v3, v60;
	v61 =	vmul.f32 $2.000000030e-01, v12  }
0xd2: {  	v3 =	vmul.f32 $1.442695020e+00, v3;
	vm15 =	vge.f32 v12, $0.0e+00  }
0xd3: {  	(erf) = vpow2.f32 v6;
	v62 =	vsel vm15, v12, v61  }
0xd4: {  	(erf) = vpow2.f32 v3;
	v3 =	vmul.f32 $1.442695020e+00, v62;
	_ =	sdelay $0x1  }
0xd5: {  	v1 =	vadd.s32 $0x2, v1;
	(erf) = vpow2.f32 v3;
	_ =	sdelay $0x2  }
0xd6: {  	v63 =	vadd.s32 $0x2, v27  }
0xd7: {  	[tilespmem:v2+s0+$0x0] =	vst.idx.add.f32.msk $0xffff, v35;
	v3 =	vadd.s32 $0x2, v5  }
0xd8: {  	[tilespmem:v1+s0+$0x0] =	vst.idx.add.f32.msk $0xffff, v38  }
0xd9: {  	[tilespmem:v4+s0+$0x0] =	vst.idx.add.f32.msk $0xffff, v53;
	v1 =	vpop (erf)  }
0xda: {  	[tilespmem:v8+s0+$0x0] =	vst.idx.add.f32.msk $0xffff, v1;
	v2 =	vpop (erf)  }
0xdb: {  	[tilespmem:v63+s0+$0x0] =	vst.idx.add.f32.msk $0xffff, v2  }
0xdc: {  	[tilespmem:v3+s0+$0x0] =	vst.idx.add.f32.msk $0xffff, v56;
	v1 =	vpop (erf)  }
0xdd: {  	[tilespmem:v13+s0+$0x0] =	vst.idx.add.f32.msk $0xffff, v1  }
0xde: {  	[spmem:s12] =	stream.linear.scatter [tilespmem:s0], [sflag:$0x1], $0x3600, $0x38;
	[tilespmem:$0x1AF60] =	vst v63  }
.Ltmp2:
0xdf: {  	_ =	swait.ge [sflag:s21], $0x3600;
	(pc) =	sbr.rel .LBB2_6-.Ltmp2, $4  }
0xe0: {  	[sflag:s21] =	ssyncset.done $0x0  }
0xe1: {  	[sflag:s21] =	ssyncadd.s32 $0xFFFFCA00  }
0xe2: {  	[bflag:$0x0] =	sbarrier.arrive $0xFFFF  }
0xe3: {  	s28 =	simm.s32 $0x0  }
.LBB2_10:
0xe4: {  	s28 =	sadd.s32 $0x1, s28  }
0xe5: {  	p0 =	sne.s32 s28, $0x10  }
.Ltmp3:
0xe6: {  	_ = 	snop;
	(pc) =	sbr.rel @!p0 .LBB2_11-.Ltmp3, $1  }
0xe7: {  	_ =	sdelay $0x3  }
.LBB2_6:
0xe8: {  	p0 =	seq.s32 s28, s1  }
.Ltmp4:
0xe9: {  	_ = 	snop;
	(pc) =	sbr.rel @p0 .LBB2_10-.Ltmp4, $1  }
0xea: {  	_ =	sdelay $0x3  }
0xeb: {  	s4 =	smul.u32 $0xD800, s28;
	_ =	sdelay $0x1  }
0xec: {  	s4 =	sshra.s32 s4, $0x2  }
0xed: {  	s4 =	sadd.s32 s4, s13  }
0xee: {  	[tilespmem:s22], [sflag:$0x1] =	stream.linear.gather [spmem:s4], $0x360, $0x38;
	[tilespmem:$0x1AF60] =	vst v63  }
0xef: {  	_ =	swait.ge [sflag:s21], $0x360  }
0xf0: {  	[sflag:s21] =	ssyncset.done $0x0  }
0xf1: {  	s4 =	simm.s32 $0x17290;
	[sflag:s21] =	ssyncadd.s32 $0xFFFFFCA0  }
0xf2: {  	v3 =	vld [tilespmem:s4+$0x0]  }
0xf3: {  	v4 =	vld [tilespmem:s20+$0x0]  }
0xf4: {  	v5 =	vld [tilespmem:s20+$0xFFFFFFF0]  }
0xf5: {  	v6 =	vld [tilespmem:s4+$0xFFFFFFF0]  }
0xf6: {  	s29 =	sadd.s32 $0x20, s20  }
0xf7: {  	s30 =	simm.s32 $0x172B0;
	v1 =	vld [tilespmem:s29+$0xFFFFFFF0]  }
0xf8: {  	v2 =	vld [tilespmem:s30+$0x0];
	v7 =	vadd.f32 v3, v4  }
0xf9: {  	v3 =	vld [tilespmem:s29+$0x0]  }
0xfa: {  	s31 =	smov.u32 s20;
	s4 =	simm.s32 $0x2;
	v5 =	vadd.f32 v6, v5;
	v4 =	vld [tilespmem:s30+$0xFFFFFFF0];
	[tilespmem:s20+$0x0] =	vst v7  }
.LBB2_8:
0xfb: {  	s4 =	sadd.s32 $0x2, s4  }
0xfc: {  	[tilespmem:s31+$0xFFFFFFF0] =	vst v5;
	s31 =	smov.u32 s29;
	p0 =	slt.u32 s4, $0x34  }
.Ltmp5:
0xfd: {  	s29 =	sadd.s32 $0x20, s29;
	v5 =	vmov v1;
	(pc) =	sbr.rel @p0 .LBB2_8-.Ltmp5, $4  }
0xfe: {  	s30 =	sadd.s32 $0x20, s30;
	v1 =	vld [tilespmem:s29+$0xFFFFFFF0]  }
0xff: {  	v6 =	vadd.f32 v2, v3;
	v2 =	vld [tilespmem:s30+$0x0]  }
0x100: {  	v3 =	vld [tilespmem:s29+$0x0];
	v5 =	vadd.f32 v4, v5  }
0x101: {  	v4 =	vld [tilespmem:s30+$0xFFFFFFF0];
	[tilespmem:s31+$0x0] =	vst v6  }
0x102: {  	_ =	sdelay $0x1  }
.Ltmp6:
0x103: {  	_ = 	snop;
	(pc) =	sbr.rel .LBB2_10-.Ltmp6, $4  }
0x104: {  	v2 =	vadd.f32 v2, v3  }
0x105: {  	[tilespmem:s31+$0xFFFFFFF0] =	vst v5;
	v1 =	vadd.f32 v4, v1  }
0x106: {  	[tilespmem:s29+$0x0] =	vst v2  }
0x107: {  	[tilespmem:s29+$0xFFFFFFF0] =	vst v1  }
.LBB2_11:
0x108: {  	v1 =	vld [tilespmem:s20+$0xFFFFFFF0];
	_ =	sdelay $0x1  }
0x109: {  	v2 =	vld [tilespmem:s20+$0x0];
	_ =	sdelay $0x2  }
0x10a: {  	v1 =	vadd.f32 $1.000000020e-16, v1;
	_ =	sdelay $0x1  }
0x10b: {  	s28 =	sadd.s32 $0x20, s20;
	v2 =	vadd.f32 $1.000000020e-16, v2;
	(erf) = vrcp.f32 v1  }
0x10c: {  	v1 =	vld [tilespmem:s28+$0xFFFFFFF0]  }
0x10d: {  	(erf) = vrcp.f32 v2;
	v2 =	vld [tilespmem:s28+$0x0];
	_ =	sdelay $0x2  }
0x10e: {  	s29 =	sadd.s32 $0x20, s28  }
0x10f: {  	v3 =	vld [tilespmem:s29+$0xFFFFFFF0];
	v1 =	vadd.f32 $1.000000020e-16, v1  }
0x110: {  	v2 =	vadd.f32 $1.000000020e-16, v2  }
0x111: {  	(erf) = vrcp.f32 v1;
	v1 =	vld [tilespmem:s29+$0x0]  }
0x112: {  	v4 =	vpop (erf);
	(erf) = vrcp.f32 v2;
	_ =	sdelay $0x1  }
0x113: {  	s30 =	simm.s32 $0x4;
	s31 =	smov.u32 s20;
	s4 =	sadd.s32 $0x20, s29;
	v2 =	vadd.f32 $1.000000020e-16, v3;
	[tilespmem:s20+$0xFFFFFFF0] =	vst v4;
	v3 =	vpop (erf)  }
.LBB2_12:
0x114: {  	s30 =	sadd.s32 $0x2, s30  }
0x115: {  	v4 =	vld [tilespmem:s4+$0xFFFFFFF0];
	v5 =	vadd.f32 $1.000000020e-16, v1;
	[tilespmem:s31+$0x0] =	vst v3;
	s31 =	smov.u32 s28;
	s28 =	smov.u32 s29;
	p0 =	slt.u32 s30, $0x34  }
.Ltmp7:
0x116: {  	s29 =	smov.u32 s4;
	v1 =	vld [tilespmem:s4+$0x0];
	(erf) = vrcp.f32 v2;
	(pc) =	sbr.rel @p0 .LBB2_12-.Ltmp7, $3  }
0x117: {  	(erf) = vrcp.f32 v5;
	_ =	sdelay $0x1  }
0x118: {  	v3 =	vpop (erf)  }
0x119: {  	s4 =	sadd.s32 $0x20, s4;
	v2 =	vadd.f32 $1.000000020e-16, v4;
	[tilespmem:s31+$0xFFFFFFF0] =	vst v3;
	v3 =	vpop (erf)  }
0x11a: {  	v1 =	vadd.f32 $1.000000020e-16, v1  }
0x11b: {  	(erf) = vrcp.f32 v2  }
0x11c: {  	(erf) = vrcp.f32 v1;
	_ =	sdelay $0x5  }
0x11d: {  	[tilespmem:s31+$0x0] =	vst v3;
	v1 =	vpop (erf)  }
0x11e: {  	[tilespmem:s28+$0xFFFFFFF0] =	vst v1;
	v1 =	vpop (erf)  }
0x11f: {  	[tilespmem:s28+$0x0] =	vst v1;
	v1 =	vpop (erf)  }
0x120: {  	[tilespmem:s29+$0xFFFFFFF0] =	vst v1;
	v1 =	vpop (erf)  }
0x121: {  	[tilespmem:s29+$0x0] =	vst v1  }
0x122: {  	[spmem:s15] =	stream.linear.scatter [tilespmem:s14], [sflag:$0x1], $0x360, $0x38;
	[tilespmem:$0x1AF60] =	vst v63  }
0x123: {  	_ =	swait.ge [sflag:s21], $0x360  }
0x124: {  	[sflag:s21] =	ssyncset.done $0x0  }
0x125: {  	[sflag:s21] =	ssyncadd.s32 $0xFFFFFCA0  }
0x126: {  	[bflag:$0x0] =	sbarrier.arrive $0xFFFF  }
0x127: {  	s4 =	rddreg [dreg:$0x4]  }
0x128: {  	[tilespmem:s0], [sflag:$0x1] =	stream.linear.gather [spmem:s4], $0x3600, $0x38;
	[tilespmem:$0x1AF60] =	vst v63  }
0x129: {  	_ =	swait.ge [sflag:s21], $0x3600  }
0x12a: {  	[sflag:s21] =	ssyncset.done $0x0  }
0x12b: {  	s4 =	simm.s32 $0x4590;
	[sflag:s21] =	ssyncadd.s32 $0xFFFFCA00  }
0x12c: {  	s28 =	simm.s32 $0x10;
	v3 =	vld [tilespmem:s4+$0x0]  }
0x12d: {  	v1 =	vld [tilespmem:s28+$0x0];
	_ =	sdelay $0x2  }
0x12e: {  	v2 =	vld [tilespmem:s4+$0xFFFFFFF0]  }
0x12f: {  	v5 =	vld [tilespmem:s28+$0xFFFFFFF0];
	s4 =	simm.s32 $0x45B0;
	v4 =	vadd.s32 $0x3600, v3  }
0x130: {  	s28 =	simm.s32 $0x30;
	v6 =	vld [tilespmem:s4+$0x0]  }
0x131: {  	v9 =	vld [tilespmem:s28+$0x0]  }
0x132: {  	v10 =	vld [tilespmem:s28+$0xFFFFFFF0]  }
0x133: {  	v8 =	vld.idx.msk [tilespmem:v1+s25+$0x0], $0xffff  }
0x134: {  	v7 =	vadd.s32 $0x3600, v2;
	v1 =	vmul.u32 $0x3, v2;
	v2 =	vld.idx.msk [tilespmem:v4+s25+$0x0], $0xffff  }
0x135: {  	s28 =	simm.s32 $0x50  }
0x136: {  	v14 =	vld [tilespmem:s28+$0x0];
	v11 =	vadd.s32 $0x3600, v6  }
0x137: {  	v5 =	vld.idx.msk [tilespmem:v5+s25+$0x0], $0xffff  }
0x138: {  	v4 =	vld [tilespmem:s4+$0xFFFFFFF0]  }
0x139: {  	v7 =	vld.idx.msk [tilespmem:v7+s25+$0x0], $0xffff;
	v8 =	vadd.f32 v2, v8  }
0x13a: {  	v9 =	vld.idx.msk [tilespmem:v9+s25+$0x0], $0xffff  }
0x13b: {  	v15 =	vmul.u32 $0x3, v3;
	v11 =	vld.idx.msk [tilespmem:v11+s25+$0x0], $0xffff;
	v13 =	vmul.f32 $2.000000030e-01, v8  }
0x13c: {  	v10 =	vld.idx.msk [tilespmem:v10+s25+$0x0], $0xffff;
	s4 =	simm.s32 $0x45D0;
	vm0 =	vge.f32 v8, $0.0e+00  }
0x13d: {  	v2 =	vld [tilespmem:s4+$0x0];
	v12 =	vadd.s32 $0x3600, v4;
	v3 =	vsel vm0, v8, v13  }
0x13e: {  	v17 =	vld.idx.msk [tilespmem:v14+s25+$0x0], $0xffff;
	v4 =	vmul.u32 $0x3, v4;
	v5 =	vadd.f32 v7, v5;
	v3 =	vmul.f32 $1.442695020e+00, v3  }
0x13f: {  	v1 =	vld.idx.msk [tilespmem:v1+s0+$0x0], $0xffff  }
0x140: {  	v9 =	vadd.f32 v11, v9;
	v11 =	vmul.f32 $2.000000030e-01, v5;
	v8 =	vld [tilespmem:s4+$0xFFFFFFF0];
	(erf) = vpow2.f32 v3  }
0x141: {  	v7 =	vld.idx.msk [tilespmem:v15+s0+$0x0], $0xffff;
	vm13 =	vge.f32 v5, $0.0e+00  }
0x142: {  	v13 =	vld [tilespmem:s28+$0xFFFFFFF0];
	v5 =	vsel vm13, v5, v11;
	v16 =	vadd.s32 $0x3600, v2  }
0x143: {  	v12 =	vld.idx.msk [tilespmem:v12+s25+$0x0], $0xffff;
	v5 =	vmul.f32 $1.442695020e+00, v5  }
0x144: {  	v14 =	vmul.f32 $2.000000030e-01, v9;
	s4 =	simm.s32 $0x45F0;
	v3 =	vld.idx.msk [tilespmem:v4+s0+$0x0], $0xffff  }
0x145: {  	s29 =	simm.s32 $0x70;
	vm14 =	vge.f32 v9, $0.0e+00;
	v4 =	vld [tilespmem:s4+$0x0];
	(erf) = vpow2.f32 v5;
	v15 =	vadd.s32 $0x3600, v8  }
0x146: {  	v19 =	vmul.u32 $0x3, v6;
	v6 =	vsel vm14, v9, v14;
	v18 =	vmul.u32 $0x3, v8;
	v8 =	vld [tilespmem:s29+$0x0]  }
0x147: {  	v6 =	vmul.f32 $1.442695020e+00, v6;
	v16 =	vld.idx.msk [tilespmem:v16+s25+$0x0], $0xffff  }
0x148: {  	v20 =	vld [tilespmem:s4+$0xFFFFFFF0];
	v12 =	vadd.f32 v12, v10  }
0x149: {  	v10 =	vld [tilespmem:s29+$0xFFFFFFF0];
	v5 =	vpop (erf);
	(erf) = vpow2.f32 v6  }
0x14a: {  	v9 =	vld.idx.msk [tilespmem:v15+s25+$0x0], $0xffff;
	v15 =	vmul.f32 $2.000000030e-01, v12  }
0x14b: {  	vm15 =	vge.f32 v12, $0.0e+00;
	v11 =	vld.idx.msk [tilespmem:v13+s25+$0x0], $0xffff;
	v14 =	vadd.s32 $0x3600, v4;
	v6 =	vmul.f32 v5, v7  }
0x14c: {  	s28 =	simm.s32 $0x12D10;
	v13 =	vadd.f32 v16, v17;
	v5 =	vld.idx.msk [tilespmem:v18+s0+$0x0], $0xffff;
	v7 =	vsel vm15, v12, v15  }
0x14d: {  	s30 =	simm.s32 $0x6;
	s31 =	simm.s32 $0x4610;
	v12 =	vadd.s32 $0x3600, v20;
	v15 =	vmul.f32 $1.442695020e+00, v7;
	v7 =	vld.idx.msk [tilespmem:v19+s0+$0x0], $0xffff;
	[tilespmem:s28+$0x0] =	vst v6;
	v6 =	vmul.u32 $0x3, v20  }
.LBB2_14:
0x14e: {  	v16 =	vld [tilespmem:s31+$0x0];
	v17 =	vmul.f32 $2.000000030e-01, v13;
	v18 =	vpop (erf);
	v19 =	vmov v10  }
0x14f: {  	vm0 =	vge.f32 v13, $0.0e+00;
	v20 =	vld.idx.msk [tilespmem:v8+s25+$0x0], $0xffff;
	(erf) = vpow2.f32 v15;
	v10 =	vmul.f32 v18, v1;
	v1 =	vmovc v3  }
0x150: {  	s30 =	sadd.s32 $0x2, s30;
	s29 =	sadd.s32 $0x20, s29;
	v15 =	vld.idx.msk [tilespmem:v14+s25+$0x0], $0xffff;
	v13 =	vsel vm0, v13, v17  }
0x151: {  	p0 =	slt.u32 s30, $0x450;
	v18 =	vmul.u32 $0x3, v2;
	v2 =	vmovc v4;
	v17 =	vadd.f32 v9, v11;
	v8 =	vld [tilespmem:s29+$0x0];
	v9 =	vmul.f32 $1.442695020e+00, v13;
	[tilespmem:s28+$0xFFFFFFF0] =	vst v10  }
0x152: {  	v3 =	vmov v5;
	v21 =	vld [tilespmem:s31+$0xFFFFFFF0];
	v4 =	vpop (erf)  }
.Ltmp8:
0x153: {  	vm0 =	vge.f32 v17, $0.0e+00;
	v10 =	vld [tilespmem:s29+$0xFFFFFFF0];
	(erf) = vpow2.f32 v9;
	v5 =	vmul.f32 v4, v7;
	v4 =	vmovc v16;
	(pc) =	sbr.rel @p0 .LBB2_14-.Ltmp8, $4  }
0x154: {  	s28 =	sadd.s32 $0x20, s28;
	v7 =	vmul.f32 $2.000000030e-01, v17;
	v9 =	vld.idx.msk [tilespmem:v12+s25+$0x0], $0xffff  }
0x155: {  	v14 =	vadd.s32 $0x3600, v4;
	v11 =	vld.idx.msk [tilespmem:v19+s25+$0x0], $0xffff;
	[tilespmem:s28+$0x0] =	vst v5  }
0x156: {  	v13 =	vadd.f32 v15, v20;
	v7 =	vsel vm0, v17, v7;
	v5 =	vld.idx.msk [tilespmem:v6+s0+$0x0], $0xffff  }
0x157: {  	s31 =	sadd.s32 $0x20, s31;
	v15 =	vmul.f32 $1.442695020e+00, v7;
	v12 =	vadd.s32 $0x3600, v21;
	v6 =	vmul.u32 $0x3, v21;
	v7 =	vld.idx.msk [tilespmem:v18+s0+$0x0], $0xffff  }
0x158: {  	_ =	sdelay $0x3  }
0x159: {  	v8 =	vld.idx.msk [tilespmem:v8+s25+$0x0], $0xffff  }
0x15a: {  	v14 =	vld.idx.msk [tilespmem:v14+s25+$0x0], $0xffff  }
0x15b: {  	v12 =	vld.idx.msk [tilespmem:v12+s25+$0x0], $0xffff  }
0x15c: {  	v10 =	vld.idx.msk [tilespmem:v10+s25+$0x0], $0xffff;
	_ =	sdelay $0x2  }
0x15d: {  	v16 =	vmul.f32 $2.000000030e-01, v13;
	vm0 =	vge.f32 v13, $0.0e+00;
	v9 =	vadd.f32 v9, v11  }
0x15e: {  	v2 =	vmul.u32 $0x3, v2;
	(erf) = vpow2.f32 v15;
	v8 =	vadd.f32 v14, v8  }
0x15f: {  	v11 =	vsel vm0, v13, v16;
	v13 =	vmul.f32 $2.000000030e-01, v9;
	v10 =	vadd.f32 v12, v10  }
0x160: {  	v11 =	vmul.f32 $1.442695020e+00, v11;
	vm9 =	vge.f32 v9, $0.0e+00;
	v12 =	vmul.f32 $2.000000030e-01, v8  }
0x161: {  	v9 =	vsel vm9, v9, v13;
	vm10 =	vge.f32 v8, $0.0e+00;
	v13 =	vmul.f32 $2.000000030e-01, v10  }
0x162: {  	v9 =	vmul.f32 $1.442695020e+00, v9;
	vm11 =	vge.f32 v10, $0.0e+00;
	v8 =	vsel vm10, v8, v12  }
0x163: {  	(erf) = vpow2.f32 v11;
	v10 =	vsel vm11, v10, v13;
	v8 =	vmul.f32 $1.442695020e+00, v8  }
0x164: {  	v4 =	vmul.u32 $0x3, v4;
	(erf) = vpow2.f32 v9;
	v9 =	vmul.f32 $1.442695020e+00, v10  }
0x165: {  	(erf) = vpow2.f32 v8  }
0x166: {  	(erf) = vpow2.f32 v9;
	_ =	sdelay $0x1  }
0x167: {  	v2 =	vld.idx.msk [tilespmem:v2+s0+$0x0], $0xffff  }
0x168: {  	v8 =	vpop (erf)  }
0x169: {  	v4 =	vld.idx.msk [tilespmem:v4+s0+$0x0], $0xffff;
	v9 =	vpop (erf);
	v1 =	vmul.f32 v8, v1  }
0x16a: {  	v6 =	vld.idx.msk [tilespmem:v6+s0+$0x0], $0xffff;
	v8 =	vpop (erf);
	v7 =	vmul.f32 v9, v7  }
0x16b: {  	s4 =	sadd.s32 $0x20, s28;
	v9 =	vpop (erf);
	[tilespmem:s28+$0xFFFFFFF0] =	vst v1;
	v1 =	vmul.f32 v8, v3  }
0x16c: {  	v3 =	vpop (erf);
	[tilespmem:s4+$0x0] =	vst v7;
	v2 =	vmul.f32 v9, v2  }
0x16d: {  	[tilespmem:s4+$0xFFFFFFF0] =	vst v1;
	s4 =	sadd.s32 $0x20, s4;
	v1 =	vmul.f32 v3, v5;
	v3 =	vpop (erf)  }
0x16e: {  	[tilespmem:s4+$0x0] =	vst v2;
	v2 =	vmul.f32 v3, v4;
	v3 =	vpop (erf)  }
0x16f: {  	[tilespmem:s4+$0xFFFFFFF0] =	vst v1;
	s4 =	sadd.s32 $0x20, s4;
	v1 =	vmul.f32 v3, v6  }
0x170: {  	[tilespmem:s4+$0x0] =	vst v2  }
0x171: {  	[tilespmem:s4+$0xFFFFFFF0] =	vst v1  }
0x172: {  	[hbm4b:s16+s3] =	stream.linear.scatter [tilespmem:s2], [sflag:$0x1], $0x4520, $0x38;
	[tilespmem:$0x1AF60] =	vst v63  }
0x173: {  	_ =	swait.ge [sflag:s21], $0x4520  }
0x174: {  	[sflag:s21] =	ssyncset.done $0x0  }
0x175: {  	s4 =	simm.s32 $0x10;
	[sflag:s21] =	ssyncadd.s32 $0xFFFFBAE0  }
0x176: {  	v1 =	vld [tilespmem:s4+$0x0]  }
0x177: {  	s28 =	simm.s32 $0x4590  }
0x178: {  	v3 =	vld [tilespmem:s28+$0x0];
	_ =	sdelay $0x1  }
0x179: {  	v2 =	vld [tilespmem:s28+$0xFFFFFFF0]  }
0x17a: {  	v4 =	vld [tilespmem:s4+$0xFFFFFFF0];
	v1 =	vadd.s32 $0x1200, v1  }
0x17b: {  	s4 =	simm.s32 $0x30  }
0x17c: {  	s28 =	simm.s32 $0x45B0;
	v6 =	vld [tilespmem:s4+$0x0];
	v5 =	vadd.s32 $0x4800, v3  }
0x17d: {  	v8 =	vld [tilespmem:s28+$0x0]  }
0x17e: {  	v10 =	vld [tilespmem:s4+$0xFFFFFFF0];
	v7 =	vmul.u32 $0x3, v2  }
0x17f: {  	v4 =	vadd.s32 $0x1200, v4;
	v9 =	vld.idx.msk [tilespmem:v1+s25+$0x0], $0xffff  }
0x180: {  	v2 =	vadd.s32 $0x4800, v2;
	v1 =	vadd.s32 $0x1, v7;
	v7 =	vld [tilespmem:s28+$0xFFFFFFF0]  }
0x181: {  	v6 =	vadd.s32 $0x1200, v6;
	v5 =	vld.idx.msk [tilespmem:v5+s25+$0x0], $0xffff  }
0x182: {  	v12 =	vadd.s32 $0x4800, v8  }
0x183: {  	v10 =	vadd.s32 $0x1200, v10  }
0x184: {  	v4 =	vld.idx.msk [tilespmem:v4+s25+$0x0], $0xffff  }
0x185: {  	v11 =	vld.idx.msk [tilespmem:v2+s25+$0x0], $0xffff;
	v13 =	vmul.u32 $0x3, v7;
	v7 =	vadd.s32 $0x4800, v7  }
0x186: {  	v6 =	vld.idx.msk [tilespmem:v6+s25+$0x0], $0xffff;
	v5 =	vadd.f32 v5, v9  }
0x187: {  	v3 =	vmul.u32 $0x3, v3;
	v12 =	vld.idx.msk [tilespmem:v12+s25+$0x0], $0xffff  }
0x188: {  	s4 =	simm.s32 $0x50;
	v10 =	vld.idx.msk [tilespmem:v10+s25+$0x0], $0xffff;
	v14 =	vmul.f32 $2.000000030e-01, v5  }
0x189: {  	v16 =	vadd.s32 $0x1, v3;
	v9 =	vld [tilespmem:s4+$0x0];
	vm12 =	vge.f32 v5, $0.0e+00  }
0x18a: {  	s28 =	simm.s32 $0x45D0;
	v5 =	vsel vm12, v5, v14;
	v17 =	vld.idx.msk [tilespmem:v7+s25+$0x0], $0xffff;
	v7 =	vadd.f32 v11, v4  }
0x18b: {  	v2 =	vld [tilespmem:s28+$0x0];
	v5 =	vmul.f32 $1.442695020e+00, v5  }
0x18c: {  	v15 =	vld [tilespmem:s4+$0xFFFFFFF0];
	v13 =	vadd.s32 $0x1, v13;
	v11 =	vmul.f32 $2.000000030e-01, v7  }
0x18d: {  	v14 =	vld [tilespmem:s28+$0xFFFFFFF0];
	(erf) = vpow2.f32 v5;
	vm13 =	vge.f32 v7, $0.0e+00  }
0x18e: {  	v16 =	vld.idx.msk [tilespmem:v16+s0+$0x0], $0xffff;
	v6 =	vadd.f32 v12, v6;
	v11 =	vsel vm13, v7, v11  }
0x18f: {  	s29 =	simm.s32 $0x45F0;
	v1 =	vld.idx.msk [tilespmem:v1+s0+$0x0], $0xffff;
	v5 =	vadd.s32 $0x1200, v9;
	v17 =	vadd.f32 v17, v10;
	v10 =	vmul.f32 $1.442695020e+00, v11  }
0x190: {  	v4 =	vld [tilespmem:s29+$0x0];
	v9 =	vadd.s32 $0x4800, v2  }
0x191: {  	s4 =	simm.s32 $0x70;
	v18 =	vmul.f32 $2.000000030e-01, v6;
	v3 =	vld.idx.msk [tilespmem:v13+s0+$0x0], $0xffff;
	(erf) = vpow2.f32 v10  }
0x192: {  	v15 =	vadd.s32 $0x1200, v15;
	vm14 =	vge.f32 v6, $0.0e+00;
	v13 =	vld [tilespmem:s4+$0x0];
	v12 =	vmul.u32 $0x3, v14  }
0x193: {  	v14 =	vadd.s32 $0x4800, v14;
	v11 =	vsel vm14, v6, v18;
	v6 =	vld [tilespmem:s29+$0xFFFFFFF0]  }
0x194: {  	v8 =	vmul.u32 $0x3, v8;
	v7 =	vld.idx.msk [tilespmem:v5+s25+$0x0], $0xffff;
	v5 =	vadd.s32 $0x1, v12  }
0x195: {  	v11 =	vmul.f32 $1.442695020e+00, v11;
	v9 =	vld.idx.msk [tilespmem:v9+s25+$0x0], $0xffff  }
0x196: {  	v8 =	vadd.s32 $0x1, v8;
	v12 =	vld [tilespmem:s4+$0xFFFFFFF0];
	v63 =	vmul.f32 $2.000000030e-01, v17;
	v19 =	vpop (erf)  }
0x197: {  	vm15 =	vge.f32 v17, $0.0e+00;
	v10 =	vld.idx.msk [tilespmem:v15+s25+$0x0], $0xffff;
	(erf) = vpow2.f32 v11;
	v16 =	vmul.f32 v19, v16  }
0x198: {  	s28 =	simm.s32 $0x12D10;
	v13 =	vadd.s32 $0x1200, v13;
	v15 =	vsel vm15, v17, v63;
	v11 =	vld.idx.msk [tilespmem:v14+s25+$0x0], $0xffff  }
0x199: {  	s30 =	simm.s32 $0x6;
	s31 =	simm.s32 $0x90;
	v15 =	vmul.f32 $1.442695020e+00, v15;
	v14 =	vadd.s32 $0x4800, v4;
	v5 =	vld.idx.msk [tilespmem:v5+s0+$0x0], $0xffff;
	[tilespmem:s28+$0x0] =	vst v16  }
.LBB2_16:
0x19a: {  	v16 =	vld [tilespmem:s31+$0x0];
	v17 =	vadd.s32 $0x4800, v6;
	v6 =	vmul.u32 $0x3, v6;
	v18 =	vadd.f32 v9, v7;
	v7 =	vpop (erf)  }
0x19b: {  	s29 =	sadd.s32 $0x20, s29;
	v19 =	vadd.s32 $0x1200, v12;
	v20 =	vld.idx.msk [tilespmem:v8+s0+$0x0], $0xffff;
	(erf) = vpow2.f32 v15;
	v8 =	vmul.f32 v7, v1;
	v1 =	vmovc v3  }
0x19c: {  	v15 =	vld [tilespmem:s29+$0x0];
	v21 =	vadd.s32 $0x1, v6;
	v12 =	vmul.f32 $2.000000030e-01, v18  }
0x19d: {  	s30 =	sadd.s32 $0x2, s30;
	vm0 =	vge.f32 v18, $0.0e+00;
	v7 =	vld.idx.msk [tilespmem:v13+s25+$0x0], $0xffff;
	[tilespmem:s28+$0xFFFFFFF0] =	vst v8  }
0x19e: {  	p0 =	slt.u32 s30, $0x450;
	v8 =	vmul.u32 $0x3, v2;
	v2 =	vmovc v4;
	v9 =	vld.idx.msk [tilespmem:v14+s25+$0x0], $0xffff;
	v14 =	vadd.f32 v11, v10;
	v10 =	vsel vm0, v18, v12  }
.Ltmp9:
0x19f: {  	v3 =	vmov v5;
	v6 =	vld [tilespmem:s29+$0xFFFFFFF0];
	v13 =	vmul.f32 $1.442695020e+00, v10;
	(pc) =	sbr.rel @p0 .LBB2_16-.Ltmp9, $4  }
0x1a0: {  	v8 =	vadd.s32 $0x1, v8;
	v12 =	vld [tilespmem:s31+$0xFFFFFFF0];
	vm0 =	vge.f32 v14, $0.0e+00;
	v5 =	vmul.f32 $2.000000030e-01, v14;
	v11 =	vpop (erf)  }
0x1a1: {  	v10 =	vld.idx.msk [tilespmem:v19+s25+$0x0], $0xffff;
	(erf) = vpow2.f32 v13;
	v18 =	vmul.f32 v11, v20;
	v4 =	vmov v15  }
0x1a2: {  	s28 =	sadd.s32 $0x20, s28;
	v13 =	vadd.s32 $0x1200, v16;
	v11 =	vld.idx.msk [tilespmem:v17+s25+$0x0], $0xffff;
	v15 =	vsel vm0, v14, v5  }
0x1a3: {  	s31 =	sadd.s32 $0x20, s31;
	v14 =	vadd.s32 $0x4800, v4;
	v5 =	vld.idx.msk [tilespmem:v21+s0+$0x0], $0xffff;
	v15 =	vmul.f32 $1.442695020e+00, v15;
	[tilespmem:s28+$0x0] =	vst v18  }
0x1a4: {  	_ = 	snop  }
0x1a5: {  	v12 =	vadd.s32 $0x1200, v12  }
0x1a6: {  	v16 =	vadd.s32 $0x4800, v6;
	_ =	sdelay $0x1  }
0x1a7: {  	v13 =	vld.idx.msk [tilespmem:v13+s25+$0x0], $0xffff  }
0x1a8: {  	v14 =	vld.idx.msk [tilespmem:v14+s25+$0x0], $0xffff  }
0x1a9: {  	v7 =	vadd.f32 v9, v7;
	v9 =	vld.idx.msk [tilespmem:v12+s25+$0x0], $0xffff  }
0x1aa: {  	v12 =	vld.idx.msk [tilespmem:v16+s25+$0x0], $0xffff  }
0x1ab: {  	v16 =	vmul.f32 $2.000000030e-01, v7  }
0x1ac: {  	vm0 =	vge.f32 v7, $0.0e+00  }
0x1ad: {  	v2 =	vmul.u32 $0x3, v2;
	v10 =	vadd.f32 v11, v10;
	v7 =	vsel vm0, v7, v16  }
0x1ae: {  	v4 =	vmul.u32 $0x3, v4;
	v11 =	vadd.f32 v14, v13;
	v7 =	vmul.f32 $1.442695020e+00, v7  }
0x1af: {  	(erf) = vpow2.f32 v15;
	v13 =	vmul.f32 $2.000000030e-01, v10;
	v9 =	vadd.f32 v12, v9  }
0x1b0: {  	vm9 =	vge.f32 v10, $0.0e+00;
	(erf) = vpow2.f32 v7;
	v7 =	vmul.f32 $2.000000030e-01, v11  }
0x1b1: {  	v10 =	vsel vm9, v10, v13;
	vm10 =	vge.f32 v11, $0.0e+00;
	v12 =	vmul.f32 $2.000000030e-01, v9  }
0x1b2: {  	v10 =	vmul.f32 $1.442695020e+00, v10;
	v7 =	vsel vm10, v11, v7;
	vm11 =	vge.f32 v9, $0.0e+00  }
0x1b3: {  	v2 =	vadd.s32 $0x1, v2;
	v7 =	vmul.f32 $1.442695020e+00, v7;
	v9 =	vsel vm11, v9, v12  }
0x1b4: {  	v6 =	vmul.u32 $0x3, v6;
	(erf) = vpow2.f32 v10;
	v9 =	vmul.f32 $1.442695020e+00, v9  }
0x1b5: {  	v4 =	vadd.s32 $0x1, v4;
	(erf) = vpow2.f32 v7  }
0x1b6: {  	v6 =	vadd.s32 $0x1, v6;
	v7 =	vld.idx.msk [tilespmem:v8+s0+$0x0], $0xffff;
	(erf) = vpow2.f32 v9;
	_ =	sdelay $0x1  }
0x1b7: {  	v2 =	vld.idx.msk [tilespmem:v2+s0+$0x0], $0xffff  }
0x1b8: {  	v8 =	vpop (erf)  }
0x1b9: {  	v4 =	vld.idx.msk [tilespmem:v4+s0+$0x0], $0xffff;
	v1 =	vmul.f32 v8, v1;
	v9 =	vpop (erf)  }
0x1ba: {  	v6 =	vld.idx.msk [tilespmem:v6+s0+$0x0], $0xffff;
	v8 =	vpop (erf);
	v7 =	vmul.f32 v9, v7  }
0x1bb: {  	s4 =	sadd.s32 $0x20, s28;
	[tilespmem:s28+$0xFFFFFFF0] =	vst v1;
	v9 =	vpop (erf);
	v1 =	vmul.f32 v8, v3  }
0x1bc: {  	v3 =	vpop (erf);
	[tilespmem:s4+$0x0] =	vst v7;
	v2 =	vmul.f32 v9, v2  }
0x1bd: {  	[tilespmem:s4+$0xFFFFFFF0] =	vst v1;
	s4 =	sadd.s32 $0x20, s4;
	v1 =	vmul.f32 v3, v5;
	v3 =	vpop (erf)  }
0x1be: {  	[tilespmem:s4+$0x0] =	vst v2;
	v2 =	vmul.f32 v3, v4;
	v3 =	vpop (erf)  }
0x1bf: {  	[tilespmem:s4+$0xFFFFFFF0] =	vst v1;
	s4 =	sadd.s32 $0x20, s4;
	v1 =	vmul.f32 v3, v6  }
0x1c0: {  	[tilespmem:s4+$0x0] =	vst v2  }
0x1c1: {  	[tilespmem:s4+$0xFFFFFFF0] =	vst v1  }
0x1c2: {  	[hbm4b:s17+s3] =	stream.linear.scatter [tilespmem:s2], [sflag:$0x1], $0x4520, $0x38;
	[tilespmem:$0x1AF60] =	vst v63  }
0x1c3: {  	_ =	swait.ge [sflag:s21], $0x4520  }
0x1c4: {  	[sflag:s21] =	ssyncset.done $0x0  }
0x1c5: {  	s4 =	simm.s32 $0x10;
	[sflag:s21] =	ssyncadd.s32 $0xFFFFBAE0  }
0x1c6: {  	v1 =	vld [tilespmem:s4+$0x0]  }
0x1c7: {  	s28 =	simm.s32 $0x4590  }
0x1c8: {  	v3 =	vld [tilespmem:s28+$0x0];
	_ =	sdelay $0x1  }
0x1c9: {  	v2 =	vld [tilespmem:s28+$0xFFFFFFF0]  }
0x1ca: {  	v4 =	vld [tilespmem:s4+$0xFFFFFFF0];
	v1 =	vadd.s32 $0x2400, v1  }
0x1cb: {  	s4 =	simm.s32 $0x30  }
0x1cc: {  	s28 =	simm.s32 $0x45B0;
	v6 =	vld [tilespmem:s4+$0x0];
	v5 =	vadd.s32 $0x5A00, v3  }
0x1cd: {  	v8 =	vld [tilespmem:s28+$0x0]  }
0x1ce: {  	v10 =	vld [tilespmem:s4+$0xFFFFFFF0];
	v7 =	vmul.u32 $0x3, v2  }
0x1cf: {  	v4 =	vadd.s32 $0x2400, v4;
	v9 =	vld.idx.msk [tilespmem:v1+s25+$0x0], $0xffff  }
0x1d0: {  	v2 =	vadd.s32 $0x5A00, v2;
	v1 =	vadd.s32 $0x2, v7;
	v7 =	vld [tilespmem:s28+$0xFFFFFFF0]  }
0x1d1: {  	v6 =	vadd.s32 $0x2400, v6;
	v5 =	vld.idx.msk [tilespmem:v5+s25+$0x0], $0xffff  }
0x1d2: {  	v12 =	vadd.s32 $0x5A00, v8  }
0x1d3: {  	v10 =	vadd.s32 $0x2400, v10  }
0x1d4: {  	v4 =	vld.idx.msk [tilespmem:v4+s25+$0x0], $0xffff  }
0x1d5: {  	v11 =	vld.idx.msk [tilespmem:v2+s25+$0x0], $0xffff;
	v13 =	vmul.u32 $0x3, v7;
	v7 =	vadd.s32 $0x5A00, v7  }
0x1d6: {  	v6 =	vld.idx.msk [tilespmem:v6+s25+$0x0], $0xffff;
	v5 =	vadd.f32 v5, v9  }
0x1d7: {  	v3 =	vmul.u32 $0x3, v3;
	v12 =	vld.idx.msk [tilespmem:v12+s25+$0x0], $0xffff  }
0x1d8: {  	s4 =	simm.s32 $0x50;
	v10 =	vld.idx.msk [tilespmem:v10+s25+$0x0], $0xffff;
	v14 =	vmul.f32 $2.000000030e-01, v5  }
0x1d9: {  	v16 =	vadd.s32 $0x2, v3;
	v9 =	vld [tilespmem:s4+$0x0];
	vm12 =	vge.f32 v5, $0.0e+00  }
0x1da: {  	s28 =	simm.s32 $0x45D0;
	v5 =	vsel vm12, v5, v14;
	v17 =	vld.idx.msk [tilespmem:v7+s25+$0x0], $0xffff;
	v7 =	vadd.f32 v11, v4  }
0x1db: {  	v2 =	vld [tilespmem:s28+$0x0];
	v5 =	vmul.f32 $1.442695020e+00, v5  }
0x1dc: {  	v15 =	vld [tilespmem:s4+$0xFFFFFFF0];
	v13 =	vadd.s32 $0x2, v13;
	v11 =	vmul.f32 $2.000000030e-01, v7  }
0x1dd: {  	v14 =	vld [tilespmem:s28+$0xFFFFFFF0];
	(erf) = vpow2.f32 v5;
	vm13 =	vge.f32 v7, $0.0e+00  }
0x1de: {  	v16 =	vld.idx.msk [tilespmem:v16+s0+$0x0], $0xffff;
	v6 =	vadd.f32 v12, v6;
	v11 =	vsel vm13, v7, v11  }
0x1df: {  	s29 =	simm.s32 $0x45F0;
	v1 =	vld.idx.msk [tilespmem:v1+s0+$0x0], $0xffff;
	v5 =	vadd.s32 $0x2400, v9;
	v17 =	vadd.f32 v17, v10;
	v10 =	vmul.f32 $1.442695020e+00, v11  }
0x1e0: {  	v4 =	vld [tilespmem:s29+$0x0];
	v9 =	vadd.s32 $0x5A00, v2  }
0x1e1: {  	s4 =	simm.s32 $0x70;
	v18 =	vmul.f32 $2.000000030e-01, v6;
	v3 =	vld.idx.msk [tilespmem:v13+s0+$0x0], $0xffff;
	(erf) = vpow2.f32 v10  }
0x1e2: {  	v15 =	vadd.s32 $0x2400, v15;
	vm14 =	vge.f32 v6, $0.0e+00;
	v13 =	vld [tilespmem:s4+$0x0];
	v12 =	vmul.u32 $0x3, v14  }
0x1e3: {  	v14 =	vadd.s32 $0x5A00, v14;
	v11 =	vsel vm14, v6, v18;
	v6 =	vld [tilespmem:s29+$0xFFFFFFF0]  }
0x1e4: {  	v8 =	vmul.u32 $0x3, v8;
	v7 =	vld.idx.msk [tilespmem:v5+s25+$0x0], $0xffff;
	v5 =	vadd.s32 $0x2, v12  }
0x1e5: {  	v11 =	vmul.f32 $1.442695020e+00, v11;
	v9 =	vld.idx.msk [tilespmem:v9+s25+$0x0], $0xffff  }
0x1e6: {  	v8 =	vadd.s32 $0x2, v8;
	v12 =	vld [tilespmem:s4+$0xFFFFFFF0];
	v63 =	vmul.f32 $2.000000030e-01, v17;
	v19 =	vpop (erf)  }
0x1e7: {  	vm15 =	vge.f32 v17, $0.0e+00;
	v10 =	vld.idx.msk [tilespmem:v15+s25+$0x0], $0xffff;
	(erf) = vpow2.f32 v11;
	v16 =	vmul.f32 v19, v16  }
0x1e8: {  	s28 =	simm.s32 $0x12D10;
	v13 =	vadd.s32 $0x2400, v13;
	v15 =	vsel vm15, v17, v63;
	v11 =	vld.idx.msk [tilespmem:v14+s25+$0x0], $0xffff  }
0x1e9: {  	s30 =	simm.s32 $0x6;
	s31 =	simm.s32 $0x90;
	v15 =	vmul.f32 $1.442695020e+00, v15;
	v14 =	vadd.s32 $0x5A00, v4;
	v5 =	vld.idx.msk [tilespmem:v5+s0+$0x0], $0xffff;
	[tilespmem:s28+$0x0] =	vst v16  }
.LBB2_18:
0x1ea: {  	v16 =	vld [tilespmem:s31+$0x0];
	v17 =	vadd.s32 $0x5A00, v6;
	v6 =	vmul.u32 $0x3, v6;
	v18 =	vadd.f32 v9, v7;
	v7 =	vpop (erf)  }
0x1eb: {  	s29 =	sadd.s32 $0x20, s29;
	v19 =	vadd.s32 $0x2400, v12;
	v20 =	vld.idx.msk [tilespmem:v8+s0+$0x0], $0xffff;
	(erf) = vpow2.f32 v15;
	v8 =	vmul.f32 v7, v1;
	v1 =	vmovc v3  }
0x1ec: {  	v15 =	vld [tilespmem:s29+$0x0];
	v21 =	vadd.s32 $0x2, v6;
	v12 =	vmul.f32 $2.000000030e-01, v18  }
0x1ed: {  	s30 =	sadd.s32 $0x2, s30;
	vm0 =	vge.f32 v18, $0.0e+00;
	v7 =	vld.idx.msk [tilespmem:v13+s25+$0x0], $0xffff;
	[tilespmem:s28+$0xFFFFFFF0] =	vst v8  }
0x1ee: {  	p0 =	slt.u32 s30, $0x450;
	v8 =	vmul.u32 $0x3, v2;
	v2 =	vmovc v4;
	v9 =	vld.idx.msk [tilespmem:v14+s25+$0x0], $0xffff;
	v14 =	vadd.f32 v11, v10;
	v10 =	vsel vm0, v18, v12  }
.Ltmp10:
0x1ef: {  	v3 =	vmov v5;
	v6 =	vld [tilespmem:s29+$0xFFFFFFF0];
	v13 =	vmul.f32 $1.442695020e+00, v10;
	(pc) =	sbr.rel @p0 .LBB2_18-.Ltmp10, $4  }
0x1f0: {  	v8 =	vadd.s32 $0x2, v8;
	v12 =	vld [tilespmem:s31+$0xFFFFFFF0];
	vm0 =	vge.f32 v14, $0.0e+00;
	v5 =	vmul.f32 $2.000000030e-01, v14;
	v11 =	vpop (erf)  }
0x1f1: {  	v10 =	vld.idx.msk [tilespmem:v19+s25+$0x0], $0xffff;
	(erf) = vpow2.f32 v13;
	v18 =	vmul.f32 v11, v20;
	v4 =	vmov v15  }
0x1f2: {  	s28 =	sadd.s32 $0x20, s28;
	v13 =	vadd.s32 $0x2400, v16;
	v11 =	vld.idx.msk [tilespmem:v17+s25+$0x0], $0xffff;
	v15 =	vsel vm0, v14, v5  }
0x1f3: {  	s31 =	sadd.s32 $0x20, s31;
	v14 =	vadd.s32 $0x5A00, v4;
	v5 =	vld.idx.msk [tilespmem:v21+s0+$0x0], $0xffff;
	v15 =	vmul.f32 $1.442695020e+00, v15;
	[tilespmem:s28+$0x0] =	vst v18  }
0x1f4: {  	_ = 	snop  }
0x1f5: {  	v16 =	vadd.s32 $0x5A00, v6  }
0x1f6: {  	v12 =	vadd.s32 $0x2400, v12;
	_ =	sdelay $0x1  }
0x1f7: {  	v13 =	vld.idx.msk [tilespmem:v13+s25+$0x0], $0xffff  }
0x1f8: {  	v14 =	vld.idx.msk [tilespmem:v14+s25+$0x0], $0xffff  }
0x1f9: {  	v7 =	vadd.f32 v9, v7;
	v53 =	vld.idx.msk [tilespmem:v16+s25+$0x0], $0xffff  }
0x1fa: {  	v52 =	vld.idx.msk [tilespmem:v12+s25+$0x0], $0xffff  }
0x1fb: {  	v54 =	vmul.f32 $2.000000030e-01, v7  }
0x1fc: {  	vm0 =	vge.f32 v7, $0.0e+00  }
0x1fd: {  	v2 =	vmul.u32 $0x3, v2;
	v10 =	vadd.f32 v11, v10;
	v7 =	vsel vm0, v7, v54  }
0x1fe: {  	v4 =	vmul.u32 $0x3, v4;
	v7 =	vmul.f32 $1.442695020e+00, v7;
	v55 =	vadd.f32 v14, v13  }
0x1ff: {  	(erf) = vpow2.f32 v15;
	v56 =	vmul.f32 $2.000000030e-01, v10;
	v9 =	vadd.f32 v53, v52  }
0x200: {  	vm13 =	vge.f32 v10, $0.0e+00;
	(erf) = vpow2.f32 v7;
	v57 =	vmul.f32 $2.000000030e-01, v55  }
0x201: {  	v10 =	vsel vm13, v10, v56;
	vm14 =	vge.f32 v55, $0.0e+00;
	v12 =	vmul.f32 $2.000000030e-01, v9  }
0x202: {  	v10 =	vmul.f32 $1.442695020e+00, v10;
	v7 =	vsel vm14, v55, v57;
	vm15 =	vge.f32 v9, $0.0e+00  }
0x203: {  	v2 =	vadd.s32 $0x2, v2;
	v7 =	vmul.f32 $1.442695020e+00, v7;
	v9 =	vsel vm15, v9, v12  }
0x204: {  	v58 =	vmul.u32 $0x3, v6;
	(erf) = vpow2.f32 v10;
	v9 =	vmul.f32 $1.442695020e+00, v9  }
0x205: {  	v4 =	vadd.s32 $0x2, v4;
	(erf) = vpow2.f32 v7  }
0x206: {  	v6 =	vadd.s32 $0x2, v58;
	(erf) = vpow2.f32 v9  }
0x207: {  	v59 =	vld.idx.msk [tilespmem:v8+s0+$0x0], $0xffff  }
0x208: {  	v60 =	vpop (erf);
	v2 =	vld.idx.msk [tilespmem:v2+s0+$0x0], $0xffff  }
0x209: {  	v1 =	vmul.f32 v60, v1;
	v61 =	vpop (erf)  }
0x20a: {  	v4 =	vld.idx.msk [tilespmem:v4+s0+$0x0], $0xffff;
	v62 =	vpop (erf)  }
0x20b: {  	[tilespmem:s28+$0xFFFFFFF0] =	vst v1;
	v6 =	vld.idx.msk [tilespmem:v6+s0+$0x0], $0xffff;
	v1 =	vmul.f32 v62, v3  }
0x20c: {  	s4 =	sadd.s32 $0x20, s28;
	v7 =	vmul.f32 v61, v59;
	v63 =	vpop (erf)  }
0x20d: {  	[tilespmem:s4+$0xFFFFFFF0] =	vst v1;
	v2 =	vmul.f32 v63, v2;
	v3 =	vpop (erf)  }
0x20e: {  	[tilespmem:s4+$0x0] =	vst v7;
	s4 =	sadd.s32 $0x20, s4;
	v1 =	vmul.f32 v3, v5;
	v3 =	vpop (erf)  }
0x20f: {  	[tilespmem:s4+$0x0] =	vst v2;
	v2 =	vmul.f32 v3, v4;
	v3 =	vpop (erf)  }
0x210: {  	s26 =	sadd.s32 $0x1, s26;
	[tilespmem:s4+$0xFFFFFFF0] =	vst v1;
	s4 =	sadd.s32 $0x20, s4;
	v1 =	vmul.f32 v3, v6  }
0x211: {  	p0 =	sne.s32 s26, s19;
	[tilespmem:s4+$0x0] =	vst v2  }
.Ltmp11:
0x212: {  	[tilespmem:s4+$0xFFFFFFF0] =	vst v1;
	(pc) =	sbr.rel @p0 .LBB2_1-.Ltmp11, $4  }
0x213: {  	[hbm4b:s18+s3] =	stream.linear.scatter [tilespmem:s2], [sflag:$0x1], $0x4520, $0x38;
	[tilespmem:$0x1AF60] =	vst v63  }
0x214: {  	_ =	swait.ge [sflag:s21], $0x4520  }
0x215: {  	[sflag:s21] =	ssyncset.done $0x0  }
0x216: {  	[sflag:s21] =	ssyncadd.s32 $0xFFFFBAE0  }
0x217: {  	_ =	sfence.sel $0x180000  }
0x218: {  	[bflag:$0x0] =	sbarrier.arrive $0xFFFF  }
0x219: {  	_ =	strace $0x90000047  }
0x21a: {  	[bflag:$0x2] =	sbarrier.arrive $0xFFFF  }
0x21b: {  	p0 =	sne.s32 s1, $0x0;
	s0 =	rddreg [dreg:$0x5]  }
0x21c: {  	s0 =	sadd.s32 @!p0 $0x100000, s0  }
0x21d: {  	[sflag:s0] =	ssyncadd.tile.s32 @!p0 $0x1;
	_ =	shalt  }
.Lfunc_end2:
_tile_overlayer_lowered:
.L_overlay_start_2:
0x21e: {  	(tag) =	ssettag $0x2  }
0x21f: {  	s0 =	rddreg [dreg:$0x0];
	s2 =	stileid.u32  }
0x220: {  	s1 =	rddreg [dreg:$0x1];
	p0 =	sne.s32 s2, $0x0  }
0x221: {  	s3 =	rddreg [dreg:$0x2];
	[bflag:$0x3] =	sbarrier.arrive $0xFFFF;
	s2 =	simm.s32 @!p0 $0x1C01  }
0x222: {  	[timem:s3], [sflag:s2] =	dma.local @!p0 [hbm:s0], s1  }
0x223: {  	s0 =	simm.s32 @!p0 $0x1  }
0x224: {  	_ =	swait.ge @!p0 [sflag:s0], s1  }
0x225: {  	s1 =	ssub.s32 @!p0 $0x0, s1;
	[sflag:s0] =	ssyncset.done @!p0 $0x0  }
0x226: {  	[sflag:s0] =	ssyncadd.s32 @!p0 s1  }
0x227: {  	[bflag:$0x3] =	sbarrier.arrive $0xFFFF  }
0x228: {  	_ =	shalt  }

</sc_bundles>
